<compile_context>
chip_gen: v7x
topology: tpu7x:2x2x1
jax: 0.10.2.dev20260603
libtpu: 0.0.44.dev20260713+nightly
codegen_flags: <defaults>
</compile_context>

<pallas_src>
import jax
import jax.numpy as jnp
from jax import lax
from jax.experimental import pallas as pl
from jax.experimental.pallas import tpu as pltpu
from jax.experimental.pallas import tpu_sc as plsc

B = 16384
D = 128
L = 16
NC = 2
NS = 16
NW = NC * NS
BPW = B // NW
CHUNK = 128
NCHUNK = BPW // CHUNK


def _sc_body(idx_u_hbm, idx_b_hbm, ue_hbm, ub_hbm, be_hbm, bb_hbm,
             part_out, ubg_out, bbg_out,
             idx_u_v, idx_b_v, ubuf, bbuf, ubias_v, bbias_v, acc_v,
             sem_u0, sem_u1, sem_b0, sem_b1, sem_ub, sem_bb):
    c = lax.axis_index("c")
    s = lax.axis_index("s")
    wid = s * NC + c

    pltpu.sync_copy(idx_u_hbm.at[wid], idx_u_v)
    pltpu.sync_copy(idx_b_hbm.at[wid], idx_b_v)

    ub_copies = [
        pltpu.async_copy(ub_hbm.at[idx_u_v.at[ci]], ubias_v.at[ci], sem_ub)
        for ci in range(NCHUNK)
    ]
    bb_copies = [
        pltpu.async_copy(bb_hbm.at[idx_b_v.at[ci]], bbias_v.at[ci], sem_bb)
        for ci in range(NCHUNK)
    ]

    sems_u = (sem_u0, sem_u1)
    sems_b = (sem_b0, sem_b1)

    def start(ci):
        slot = ci % 2
        cu = pltpu.async_copy(ue_hbm.at[idx_u_v.at[ci]], ubuf.at[slot], sems_u[slot])
        cb = pltpu.async_copy(be_hbm.at[idx_b_v.at[ci]], bbuf.at[slot], sems_b[slot])
        return cu, cb

    pend = start(0)
    acc = jnp.zeros((L,), jnp.float32)
    for ci in range(NCHUNK):
        nxt = start(ci + 1) if ci + 1 < NCHUNK else None
        pend[0].wait()
        pend[1].wait()
        slot = ci % 2

        def row_body(r, a, _slot=slot):
            for k in range(D // L):
                a = a + (ubuf[_slot, r, pl.ds(k * L, L)]
                         * bbuf[_slot, r, pl.ds(k * L, L)])
            return a

        acc = lax.fori_loop(0, CHUNK, row_body, acc)
        pend = nxt

    acc_v[...] = acc
    pltpu.sync_copy(acc_v, part_out.at[wid])

    for cpy in ub_copies:
        cpy.wait()
    for cpy in bb_copies:
        cpy.wait()
    pltpu.sync_copy(ubias_v, ubg_out.at[wid])
    pltpu.sync_copy(bbias_v, bbg_out.at[wid])


_sc_call = pl.kernel(
    _sc_body,
    mesh=plsc.VectorSubcoreMesh(core_axis_name="c", subcore_axis_name="s"),
    out_type=(
        jax.ShapeDtypeStruct((NW, L), jnp.float32),
        jax.ShapeDtypeStruct((NW, NCHUNK, CHUNK), jnp.float32),
        jax.ShapeDtypeStruct((NW, NCHUNK, CHUNK), jnp.float32),
    ),
    scratch_types=[
        pltpu.VMEM((NCHUNK, CHUNK), jnp.int32),
        pltpu.VMEM((NCHUNK, CHUNK), jnp.int32),
        pltpu.VMEM((2, CHUNK, D), jnp.float32),
        pltpu.VMEM((2, CHUNK, D), jnp.float32),
        pltpu.VMEM((NCHUNK, CHUNK), jnp.float32),
        pltpu.VMEM((NCHUNK, CHUNK), jnp.float32),
        pltpu.VMEM((L,), jnp.float32),
        pltpu.SemaphoreType.DMA,
        pltpu.SemaphoreType.DMA,
        pltpu.SemaphoreType.DMA,
        pltpu.SemaphoreType.DMA,
        pltpu.SemaphoreType.DMA,
        pltpu.SemaphoreType.DMA,
    ],
)


def _tc_body(part_ref, ub_ref, bb_ref, out_ref):
    dot = jnp.sum(part_ref[...])
    x = dot + ub_ref[...] + bb_ref[...]
    out_ref[...] = 1.0 / (1.0 + jnp.exp(-x))


def kernel(inputs, user_embedding, user_bias, book_embedding, book_bias):
    idx_u = inputs[:, 0].reshape(NW, NCHUNK, CHUNK)
    idx_b = inputs[:, 1].reshape(NW, NCHUNK, CHUNK)
    part, ubg, bbg = _sc_call(
        idx_u, idx_b,
        user_embedding, user_bias.reshape(-1),
        book_embedding, book_bias.reshape(-1),
    )
    out = pl.pallas_call(
        _tc_body,
        out_shape=jax.ShapeDtypeStruct((B // D, D), jnp.float32),
    )(part.reshape(NW * L // D, D), ubg.reshape(B // D, D), bbg.reshape(B // D, D))
    return out.reshape(B, 1)

# --- scband reference (transcript-rebuilt; emitter-appended) ---
"""Pipeline reference for scband-recommender-net-29961691857418 (READ-ONLY COPY).

The authoritative reference and input builder live on the scoring server;
editing this copy changes nothing except your own understanding.
"""

import jax, jax.numpy as jnp
import numpy as np

NUM_USERS = 100000
NUM_BOOKS = 100000
EMBED_DIM = 128
BATCH = 16384


def setup_inputs(seed: int = 0) -> dict:
    key = jax.random.key(seed)
    k1, k2, k3, k4, k5 = jax.random.split(key, 5)
    inputs = jax.random.randint(k1, (BATCH, 2), 0, NUM_USERS, dtype=jnp.int64 if jax.config.jax_enable_x64 else jnp.int32)
    # he_normal initializer: stddev = sqrt(2 / fan_in); for Embedding fan_in = embedding_dim
    he_std = float(np.sqrt(2.0 / EMBED_DIM))
    user_embedding = jax.random.normal(k2, (NUM_USERS, EMBED_DIM), dtype=jnp.float32) * he_std
    book_embedding = jax.random.normal(k3, (NUM_BOOKS, EMBED_DIM), dtype=jnp.float32) * he_std
    user_bias = jax.random.normal(k4, (NUM_USERS, 1), dtype=jnp.float32) * 0.05
    book_bias = jax.random.normal(k5, (NUM_BOOKS, 1), dtype=jnp.float32) * 0.05
    return {
        "inputs": inputs,
        "user_embedding": user_embedding,
        "user_bias": user_bias,
        "book_embedding": book_embedding,
        "book_bias": book_bias,
    }


def reference(inputs, user_embedding, user_bias, book_embedding, book_bias):
    # user/book embedding lookups (SparseCore gather)
    user_vector = jnp.take(user_embedding, inputs[:, 0], axis=0)      # [B, D]
    # dropout is identity at inference time
    ub = jnp.take(user_bias, inputs[:, 0], axis=0)                    # [B, 1]
    book_vector = jnp.take(book_embedding, inputs[:, 1], axis=0)     # [B, D]
    bb = jnp.take(book_bias, inputs[:, 1], axis=0)                    # [B, 1]
    # Faithful to the original: tf.tensordot(a, b, 2) contracts BOTH axes
    # of [B, D] with [B, D], yielding a scalar.
    dot_user_book = jnp.tensordot(user_vector, book_vector, 2)        # scalar
    x = dot_user_book + ub + bb                                       # [B, 1] via broadcast
    return jax.nn.sigmoid(x)

if __name__ == "__main__":
    import jax
    _d = setup_inputs()
    print(jax.jit(kernel)(*tuple(_d.values())))

</pallas_src>

<mosaic_0001>
#map = affine_map<(d0, d1) -> (0, 0, 0)>
#map1 = affine_map<(d0, d1) -> (0, 0)>
#map2 = affine_map<(d0, d1) -> (0)>
module attributes {stable_mosaic.version = 14 : i64} {
  func.func @_sc_body(%arg0: i32, %arg1: i32, %arg2: memref<32x4x128xi32, #tpu.memory_space<hbm>>, %arg3: memref<32x4x128xi32, #tpu.memory_space<hbm>>, %arg4: memref<100000x128xf32, #tpu.memory_space<hbm>>, %arg5: memref<100000xf32, #tpu.memory_space<hbm>>, %arg6: memref<100000x128xf32, #tpu.memory_space<hbm>>, %arg7: memref<100000xf32, #tpu.memory_space<hbm>>, %arg8: memref<32x16xf32, #tpu.memory_space<hbm>>, %arg9: memref<32x4x128xf32, #tpu.memory_space<hbm>>, %arg10: memref<32x4x128xf32, #tpu.memory_space<hbm>>, %arg11: memref<4x128xi32, #tpu.memory_space<vmem>>, %arg12: memref<4x128xi32, #tpu.memory_space<vmem>>, %arg13: memref<2x128x128xf32, #tpu.memory_space<vmem>>, %arg14: memref<2x128x128xf32, #tpu.memory_space<vmem>>, %arg15: memref<4x128xf32, #tpu.memory_space<vmem>>, %arg16: memref<4x128xf32, #tpu.memory_space<vmem>>, %arg17: memref<16xf32, #tpu.memory_space<vmem>>, %arg18: memref<!tpu.dma_semaphore, #tpu.memory_space<semaphore_mem>>, %arg19: memref<!tpu.dma_semaphore, #tpu.memory_space<semaphore_mem>>, %arg20: memref<!tpu.dma_semaphore, #tpu.memory_space<semaphore_mem>>, %arg21: memref<!tpu.dma_semaphore, #tpu.memory_space<semaphore_mem>>, %arg22: memref<!tpu.dma_semaphore, #tpu.memory_space<semaphore_mem>>, %arg23: memref<!tpu.dma_semaphore, #tpu.memory_space<semaphore_mem>>) attributes {dimension_semantics = [#tpu.dimension_semantics<core_parallel>, #tpu.dimension_semantics<subcore_parallel>], iteration_bounds = array<i64: 2, 16>, scalar_prefetch = 0 : i64, scratch_operands = 13 : i64, tpu.core_type = #tpu.core_type<sc_vector_subcore>, window_params = [{transform_indices = #map}, {transform_indices = #map}, {transform_indices = #map1}, {transform_indices = #map2}, {transform_indices = #map1}, {transform_indices = #map2}, {transform_indices = #map1}, {transform_indices = #map}, {transform_indices = #map}]} {
    %mul3A = arith.constant 2 : i32
    %mul3A_0 = arith.muli %arg1, %mul3A : i32
    %add3A = arith.addi %mul3A_0, %arg0 : i32
    "tpu.region"() ({
      %run_scoped3A = tpu.sem_alloc : memref<!tpu.dma_semaphore, #tpu.memory_space<semaphore_mem>>
      %dma_start3A_378 = arith.constant 0 : i32
      %dma_start3A_379 = arith.constant 0 : i32
      %dma_start3A_380 = tpu.memref_slice %arg2[%add3A, %dma_start3A_378, %dma_start3A_379] : memref<32x4x128xi32, #tpu.memory_space<hbm>> -> memref<1x4x128xi32, #tpu.memory_space<hbm>>
      %dma_start3A_381 = tpu.memref_squeeze %dma_start3A_380 : memref<1x4x128xi32, #tpu.memory_space<hbm>> -> memref<4x128xi32, #tpu.memory_space<hbm>>
      %dma_start3A_382 = arith.constant 0 : i32
      %dma_start3A_383 = arith.constant 0 : i32
      %dma_start3A_384 = tpu.memref_slice %arg2[%add3A, %dma_start3A_382, %dma_start3A_383] : memref<32x4x128xi32, #tpu.memory_space<hbm>> -> memref<1x4x128xi32, #tpu.memory_space<hbm>>
      %dma_start3A_385 = tpu.memref_squeeze %dma_start3A_384 : memref<1x4x128xi32, #tpu.memory_space<hbm>> -> memref<4x128xi32, #tpu.memory_space<hbm>>
      tpu.enqueue_dma source(%dma_start3A_385 : memref<4x128xi32, #tpu.memory_space<hbm>>) target(%arg11 : memref<4x128xi32, #tpu.memory_space<vmem>>) target_semaphore(%run_scoped3A : memref<!tpu.dma_semaphore, #tpu.memory_space<semaphore_mem>>)
      %dma_wait3A_386 = arith.constant 0 : i32
      %dma_wait3A_387 = arith.constant 0 : i32
      %dma_wait3A_388 = tpu.memref_slice %arg2[%add3A, %dma_wait3A_386, %dma_wait3A_387] : memref<32x4x128xi32, #tpu.memory_space<hbm>> -> memref<1x4x128xi32, #tpu.memory_space<hbm>>
      %dma_wait3A_389 = tpu.memref_squeeze %dma_wait3A_388 : memref<1x4x128xi32, #tpu.memory_space<hbm>> -> memref<4x128xi32, #tpu.memory_space<hbm>>
      %dma_wait3A_390 = arith.constant 0 : i32
      %dma_wait3A_391 = arith.constant 0 : i32
      %dma_wait3A_392 = tpu.memref_slice %arg2[%add3A, %dma_wait3A_390, %dma_wait3A_391] : memref<32x4x128xi32, #tpu.memory_space<hbm>> -> memref<1x4x128xi32, #tpu.memory_space<hbm>>
      %dma_wait3A_393 = tpu.memref_squeeze %dma_wait3A_392 : memref<1x4x128xi32, #tpu.memory_space<hbm>> -> memref<4x128xi32, #tpu.memory_space<hbm>>
      tpu.wait_dma2 semaphore(%run_scoped3A : memref<!tpu.dma_semaphore, #tpu.memory_space<semaphore_mem>>) src(%dma_wait3A_393 : memref<4x128xi32, #tpu.memory_space<hbm>>) dst(%arg11 : memref<4x128xi32, #tpu.memory_space<vmem>>)
      tpu.yield
    }) : () -> ()
    "tpu.region"() ({
      %run_scoped3A = tpu.sem_alloc : memref<!tpu.dma_semaphore, #tpu.memory_space<semaphore_mem>>
      %dma_start3A_378 = arith.constant 0 : i32
      %dma_start3A_379 = arith.constant 0 : i32
      %dma_start3A_380 = tpu.memref_slice %arg3[%add3A, %dma_start3A_378, %dma_start3A_379] : memref<32x4x128xi32, #tpu.memory_space<hbm>> -> memref<1x4x128xi32, #tpu.memory_space<hbm>>
      %dma_start3A_381 = tpu.memref_squeeze %dma_start3A_380 : memref<1x4x128xi32, #tpu.memory_space<hbm>> -> memref<4x128xi32, #tpu.memory_space<hbm>>
      %dma_start3A_382 = arith.constant 0 : i32
      %dma_start3A_383 = arith.constant 0 : i32
      %dma_start3A_384 = tpu.memref_slice %arg3[%add3A, %dma_start3A_382, %dma_start3A_383] : memref<32x4x128xi32, #tpu.memory_space<hbm>> -> memref<1x4x128xi32, #tpu.memory_space<hbm>>
      %dma_start3A_385 = tpu.memref_squeeze %dma_start3A_384 : memref<1x4x128xi32, #tpu.memory_space<hbm>> -> memref<4x128xi32, #tpu.memory_space<hbm>>
      tpu.enqueue_dma source(%dma_start3A_385 : memref<4x128xi32, #tpu.memory_space<hbm>>) target(%arg12 : memref<4x128xi32, #tpu.memory_space<vmem>>) target_semaphore(%run_scoped3A : memref<!tpu.dma_semaphore, #tpu.memory_space<semaphore_mem>>)
      %dma_wait3A_386 = arith.constant 0 : i32
      %dma_wait3A_387 = arith.constant 0 : i32
      %dma_wait3A_388 = tpu.memref_slice %arg3[%add3A, %dma_wait3A_386, %dma_wait3A_387] : memref<32x4x128xi32, #tpu.memory_space<hbm>> -> memref<1x4x128xi32, #tpu.memory_space<hbm>>
      %dma_wait3A_389 = tpu.memref_squeeze %dma_wait3A_388 : memref<1x4x128xi32, #tpu.memory_space<hbm>> -> memref<4x128xi32, #tpu.memory_space<hbm>>
      %dma_wait3A_390 = arith.constant 0 : i32
      %dma_wait3A_391 = arith.constant 0 : i32
      %dma_wait3A_392 = tpu.memref_slice %arg3[%add3A, %dma_wait3A_390, %dma_wait3A_391] : memref<32x4x128xi32, #tpu.memory_space<hbm>> -> memref<1x4x128xi32, #tpu.memory_space<hbm>>
      %dma_wait3A_393 = tpu.memref_squeeze %dma_wait3A_392 : memref<1x4x128xi32, #tpu.memory_space<hbm>> -> memref<4x128xi32, #tpu.memory_space<hbm>>
      tpu.wait_dma2 semaphore(%run_scoped3A : memref<!tpu.dma_semaphore, #tpu.memory_space<semaphore_mem>>) src(%dma_wait3A_393 : memref<4x128xi32, #tpu.memory_space<hbm>>) dst(%arg12 : memref<4x128xi32, #tpu.memory_space<vmem>>)
      tpu.yield
    }) : () -> ()
    %dma_start3A = arith.constant 0 : i32
    %dma_start3A_1 = arith.constant 0 : i32
    %dma_start3A_2 = arith.constant 0 : i32
    %dma_start3A_3 = tpu.memref_slice %arg15[%dma_start3A_1, %dma_start3A_2] : memref<4x128xf32, #tpu.memory_space<vmem>> -> memref<1x128xf32, #tpu.memory_space<vmem>>
    %dma_start3A_4 = tpu.memref_squeeze %dma_start3A_3 : memref<1x128xf32, #tpu.memory_space<vmem>> -> memref<128xf32, #tpu.memory_space<vmem>>
    %dma_start3A_5 = arith.constant 0 : i32
    %dma_start3A_6 = tpu.memref_slice %arg11[%dma_start3A, %dma_start3A_5] : memref<4x128xi32, #tpu.memory_space<vmem>> -> memref<1x128xi32, #tpu.memory_space<vmem>>
    %dma_start3A_7 = tpu.memref_squeeze %dma_start3A_6 : memref<1x128xi32, #tpu.memory_space<vmem>> -> memref<128xi32, #tpu.memory_space<vmem>>
    %dma_start3A_8 = arith.constant 0 : i32
    %dma_start3A_9 = tpu.memref_slice %arg5[%dma_start3A_8] : memref<100000xf32, #tpu.memory_space<hbm>> -> memref<100000xf32, #tpu.memory_space<hbm>>
    tpu.enqueue_indirect_dma source(%dma_start3A_9 : memref<100000xf32, #tpu.memory_space<hbm>>) target(%dma_start3A_4 : memref<128xf32, #tpu.memory_space<vmem>>) offsets(%dma_start3A_7 : memref<128xi32, #tpu.memory_space<vmem>>) semaphore(%arg22 : memref<!tpu.dma_semaphore, #tpu.memory_space<semaphore_mem>>)
    %dma_start3A_10 = arith.constant 1 : i32
    %dma_start3A_11 = arith.constant 1 : i32
    %dma_start3A_12 = arith.constant 0 : i32
    %dma_start3A_13 = tpu.memref_slice %arg15[%dma_start3A_11, %dma_start3A_12] : memref<4x128xf32, #tpu.memory_space<vmem>> -> memref<1x128xf32, #tpu.memory_space<vmem>>
    %dma_start3A_14 = tpu.memref_squeeze %dma_start3A_13 : memref<1x128xf32, #tpu.memory_space<vmem>> -> memref<128xf32, #tpu.memory_space<vmem>>
    %dma_start3A_15 = arith.constant 0 : i32
    %dma_start3A_16 = tpu.memref_slice %arg11[%dma_start3A_10, %dma_start3A_15] : memref<4x128xi32, #tpu.memory_space<vmem>> -> memref<1x128xi32, #tpu.memory_space<vmem>>
    %dma_start3A_17 = tpu.memref_squeeze %dma_start3A_16 : memref<1x128xi32, #tpu.memory_space<vmem>> -> memref<128xi32, #tpu.memory_space<vmem>>
    %dma_start3A_18 = arith.constant 0 : i32
    %dma_start3A_19 = tpu.memref_slice %arg5[%dma_start3A_18] : memref<100000xf32, #tpu.memory_space<hbm>> -> memref<100000xf32, #tpu.memory_space<hbm>>
    tpu.enqueue_indirect_dma source(%dma_start3A_19 : memref<100000xf32, #tpu.memory_space<hbm>>) target(%dma_start3A_14 : memref<128xf32, #tpu.memory_space<vmem>>) offsets(%dma_start3A_17 : memref<128xi32, #tpu.memory_space<vmem>>) semaphore(%arg22 : memref<!tpu.dma_semaphore, #tpu.memory_space<semaphore_mem>>)
    %dma_start3A_20 = arith.constant 2 : i32
    %dma_start3A_21 = arith.constant 2 : i32
    %dma_start3A_22 = arith.constant 0 : i32
    %dma_start3A_23 = tpu.memref_slice %arg15[%dma_start3A_21, %dma_start3A_22] : memref<4x128xf32, #tpu.memory_space<vmem>> -> memref<1x128xf32, #tpu.memory_space<vmem>>
    %dma_start3A_24 = tpu.memref_squeeze %dma_start3A_23 : memref<1x128xf32, #tpu.memory_space<vmem>> -> memref<128xf32, #tpu.memory_space<vmem>>
    %dma_start3A_25 = arith.constant 0 : i32
    %dma_start3A_26 = tpu.memref_slice %arg11[%dma_start3A_20, %dma_start3A_25] : memref<4x128xi32, #tpu.memory_space<vmem>> -> memref<1x128xi32, #tpu.memory_space<vmem>>
    %dma_start3A_27 = tpu.memref_squeeze %dma_start3A_26 : memref<1x128xi32, #tpu.memory_space<vmem>> -> memref<128xi32, #tpu.memory_space<vmem>>
    %dma_start3A_28 = arith.constant 0 : i32
    %dma_start3A_29 = tpu.memref_slice %arg5[%dma_start3A_28] : memref<100000xf32, #tpu.memory_space<hbm>> -> memref<100000xf32, #tpu.memory_space<hbm>>
    tpu.enqueue_indirect_dma source(%dma_start3A_29 : memref<100000xf32, #tpu.memory_space<hbm>>) target(%dma_start3A_24 : memref<128xf32, #tpu.memory_space<vmem>>) offsets(%dma_start3A_27 : memref<128xi32, #tpu.memory_space<vmem>>) semaphore(%arg22 : memref<!tpu.dma_semaphore, #tpu.memory_space<semaphore_mem>>)
    %dma_start3A_30 = arith.constant 3 : i32
    %dma_start3A_31 = arith.constant 3 : i32
    %dma_start3A_32 = arith.constant 0 : i32
    %dma_start3A_33 = tpu.memref_slice %arg15[%dma_start3A_31, %dma_start3A_32] : memref<4x128xf32, #tpu.memory_space<vmem>> -> memref<1x128xf32, #tpu.memory_space<vmem>>
    %dma_start3A_34 = tpu.memref_squeeze %dma_start3A_33 : memref<1x128xf32, #tpu.memory_space<vmem>> -> memref<128xf32, #tpu.memory_space<vmem>>
    %dma_start3A_35 = arith.constant 0 : i32
    %dma_start3A_36 = tpu.memref_slice %arg11[%dma_start3A_30, %dma_start3A_35] : memref<4x128xi32, #tpu.memory_space<vmem>> -> memref<1x128xi32, #tpu.memory_space<vmem>>
    %dma_start3A_37 = tpu.memref_squeeze %dma_start3A_36 : memref<1x128xi32, #tpu.memory_space<vmem>> -> memref<128xi32, #tpu.memory_space<vmem>>
    %dma_start3A_38 = arith.constant 0 : i32
    %dma_start3A_39 = tpu.memref_slice %arg5[%dma_start3A_38] : memref<100000xf32, #tpu.memory_space<hbm>> -> memref<100000xf32, #tpu.memory_space<hbm>>
    tpu.enqueue_indirect_dma source(%dma_start3A_39 : memref<100000xf32, #tpu.memory_space<hbm>>) target(%dma_start3A_34 : memref<128xf32, #tpu.memory_space<vmem>>) offsets(%dma_start3A_37 : memref<128xi32, #tpu.memory_space<vmem>>) semaphore(%arg22 : memref<!tpu.dma_semaphore, #tpu.memory_space<semaphore_mem>>)
    %dma_start3A_40 = arith.constant 0 : i32
    %dma_start3A_41 = arith.constant 0 : i32
    %dma_start3A_42 = arith.constant 0 : i32
    %dma_start3A_43 = tpu.memref_slice %arg16[%dma_start3A_41, %dma_start3A_42] : memref<4x128xf32, #tpu.memory_space<vmem>> -> memref<1x128xf32, #tpu.memory_space<vmem>>
    %dma_start3A_44 = tpu.memref_squeeze %dma_start3A_43 : memref<1x128xf32, #tpu.memory_space<vmem>> -> memref<128xf32, #tpu.memory_space<vmem>>
    %dma_start3A_45 = arith.constant 0 : i32
    %dma_start3A_46 = tpu.memref_slice %arg12[%dma_start3A_40, %dma_start3A_45] : memref<4x128xi32, #tpu.memory_space<vmem>> -> memref<1x128xi32, #tpu.memory_space<vmem>>
    %dma_start3A_47 = tpu.memref_squeeze %dma_start3A_46 : memref<1x128xi32, #tpu.memory_space<vmem>> -> memref<128xi32, #tpu.memory_space<vmem>>
    %dma_start3A_48 = arith.constant 0 : i32
    %dma_start3A_49 = tpu.memref_slice %arg7[%dma_start3A_48] : memref<100000xf32, #tpu.memory_space<hbm>> -> memref<100000xf32, #tpu.memory_space<hbm>>
    tpu.enqueue_indirect_dma source(%dma_start3A_49 : memref<100000xf32, #tpu.memory_space<hbm>>) target(%dma_start3A_44 : memref<128xf32, #tpu.memory_space<vmem>>) offsets(%dma_start3A_47 : memref<128xi32, #tpu.memory_space<vmem>>) semaphore(%arg23 : memref<!tpu.dma_semaphore, #tpu.memory_space<semaphore_mem>>)
    %dma_start3A_50 = arith.constant 1 : i32
    %dma_start3A_51 = arith.constant 1 : i32
    %dma_start3A_52 = arith.constant 0 : i32
    %dma_start3A_53 = tpu.memref_slice %arg16[%dma_start3A_51, %dma_start3A_52] : memref<4x128xf32, #tpu.memory_space<vmem>> -> memref<1x128xf32, #tpu.memory_space<vmem>>
    %dma_start3A_54 = tpu.memref_squeeze %dma_start3A_53 : memref<1x128xf32, #tpu.memory_space<vmem>> -> memref<128xf32, #tpu.memory_space<vmem>>
    %dma_start3A_55 = arith.constant 0 : i32
    %dma_start3A_56 = tpu.memref_slice %arg12[%dma_start3A_50, %dma_start3A_55] : memref<4x128xi32, #tpu.memory_space<vmem>> -> memref<1x128xi32, #tpu.memory_space<vmem>>
    %dma_start3A_57 = tpu.memref_squeeze %dma_start3A_56 : memref<1x128xi32, #tpu.memory_space<vmem>> -> memref<128xi32, #tpu.memory_space<vmem>>
    %dma_start3A_58 = arith.constant 0 : i32
    %dma_start3A_59 = tpu.memref_slice %arg7[%dma_start3A_58] : memref<100000xf32, #tpu.memory_space<hbm>> -> memref<100000xf32, #tpu.memory_space<hbm>>
    tpu.enqueue_indirect_dma source(%dma_start3A_59 : memref<100000xf32, #tpu.memory_space<hbm>>) target(%dma_start3A_54 : memref<128xf32, #tpu.memory_space<vmem>>) offsets(%dma_start3A_57 : memref<128xi32, #tpu.memory_space<vmem>>) semaphore(%arg23 : memref<!tpu.dma_semaphore, #tpu.memory_space<semaphore_mem>>)
    %dma_start3A_60 = arith.constant 2 : i32
    %dma_start3A_61 = arith.constant 2 : i32
    %dma_start3A_62 = arith.constant 0 : i32
    %dma_start3A_63 = tpu.memref_slice %arg16[%dma_start3A_61, %dma_start3A_62] : memref<4x128xf32, #tpu.memory_space<vmem>> -> memref<1x128xf32, #tpu.memory_space<vmem>>
    %dma_start3A_64 = tpu.memref_squeeze %dma_start3A_63 : memref<1x128xf32, #tpu.memory_space<vmem>> -> memref<128xf32, #tpu.memory_space<vmem>>
    %dma_start3A_65 = arith.constant 0 : i32
    %dma_start3A_66 = tpu.memref_slice %arg12[%dma_start3A_60, %dma_start3A_65] : memref<4x128xi32, #tpu.memory_space<vmem>> -> memref<1x128xi32, #tpu.memory_space<vmem>>
    %dma_start3A_67 = tpu.memref_squeeze %dma_start3A_66 : memref<1x128xi32, #tpu.memory_space<vmem>> -> memref<128xi32, #tpu.memory_space<vmem>>
    %dma_start3A_68 = arith.constant 0 : i32
    %dma_start3A_69 = tpu.memref_slice %arg7[%dma_start3A_68] : memref<100000xf32, #tpu.memory_space<hbm>> -> memref<100000xf32, #tpu.memory_space<hbm>>
    tpu.enqueue_indirect_dma source(%dma_start3A_69 : memref<100000xf32, #tpu.memory_space<hbm>>) target(%dma_start3A_64 : memref<128xf32, #tpu.memory_space<vmem>>) offsets(%dma_start3A_67 : memref<128xi32, #tpu.memory_space<vmem>>) semaphore(%arg23 : memref<!tpu.dma_semaphore, #tpu.memory_space<semaphore_mem>>)
    %dma_start3A_70 = arith.constant 3 : i32
    %dma_start3A_71 = arith.constant 3 : i32
    %dma_start3A_72 = arith.constant 0 : i32
    %dma_start3A_73 = tpu.memref_slice %arg16[%dma_start3A_71, %dma_start3A_72] : memref<4x128xf32, #tpu.memory_space<vmem>> -> memref<1x128xf32, #tpu.memory_space<vmem>>
    %dma_start3A_74 = tpu.memref_squeeze %dma_start3A_73 : memref<1x128xf32, #tpu.memory_space<vmem>> -> memref<128xf32, #tpu.memory_space<vmem>>
    %dma_start3A_75 = arith.constant 0 : i32
    %dma_start3A_76 = tpu.memref_slice %arg12[%dma_start3A_70, %dma_start3A_75] : memref<4x128xi32, #tpu.memory_space<vmem>> -> memref<1x128xi32, #tpu.memory_space<vmem>>
    %dma_start3A_77 = tpu.memref_squeeze %dma_start3A_76 : memref<1x128xi32, #tpu.memory_space<vmem>> -> memref<128xi32, #tpu.memory_space<vmem>>
    %dma_start3A_78 = arith.constant 0 : i32
    %dma_start3A_79 = tpu.memref_slice %arg7[%dma_start3A_78] : memref<100000xf32, #tpu.memory_space<hbm>> -> memref<100000xf32, #tpu.memory_space<hbm>>
    tpu.enqueue_indirect_dma source(%dma_start3A_79 : memref<100000xf32, #tpu.memory_space<hbm>>) target(%dma_start3A_74 : memref<128xf32, #tpu.memory_space<vmem>>) offsets(%dma_start3A_77 : memref<128xi32, #tpu.memory_space<vmem>>) semaphore(%arg23 : memref<!tpu.dma_semaphore, #tpu.memory_space<semaphore_mem>>)
    %dma_start3A_80 = arith.constant 0 : i32
    %dma_start3A_81 = arith.constant 0 : i32
    %dma_start3A_82 = arith.constant 0 : i32
    %dma_start3A_83 = arith.constant 0 : i32
    %dma_start3A_84 = tpu.memref_slice %arg13[%dma_start3A_81, %dma_start3A_82, %dma_start3A_83] : memref<2x128x128xf32, #tpu.memory_space<vmem>> -> memref<1x128x128xf32, #tpu.memory_space<vmem>>
    %dma_start3A_85 = tpu.memref_squeeze %dma_start3A_84 : memref<1x128x128xf32, #tpu.memory_space<vmem>> -> memref<128x128xf32, #tpu.memory_space<vmem>>
    %dma_start3A_86 = arith.constant 0 : i32
    %dma_start3A_87 = tpu.memref_slice %arg11[%dma_start3A_80, %dma_start3A_86] : memref<4x128xi32, #tpu.memory_space<vmem>> -> memref<1x128xi32, #tpu.memory_space<vmem>>
    %dma_start3A_88 = tpu.memref_squeeze %dma_start3A_87 : memref<1x128xi32, #tpu.memory_space<vmem>> -> memref<128xi32, #tpu.memory_space<vmem>>
    %dma_start3A_89 = arith.constant 0 : i32
    %dma_start3A_90 = arith.constant 0 : i32
    %dma_start3A_91 = tpu.memref_slice %arg4[%dma_start3A_89, %dma_start3A_90] : memref<100000x128xf32, #tpu.memory_space<hbm>> -> memref<100000x128xf32, #tpu.memory_space<hbm>>
    tpu.enqueue_indirect_dma source(%dma_start3A_91 : memref<100000x128xf32, #tpu.memory_space<hbm>>) target(%dma_start3A_85 : memref<128x128xf32, #tpu.memory_space<vmem>>) offsets(%dma_start3A_88 : memref<128xi32, #tpu.memory_space<vmem>>) semaphore(%arg18 : memref<!tpu.dma_semaphore, #tpu.memory_space<semaphore_mem>>)
    %dma_start3A_92 = arith.constant 0 : i32
    %dma_start3A_93 = arith.constant 0 : i32
    %dma_start3A_94 = arith.constant 0 : i32
    %dma_start3A_95 = arith.constant 0 : i32
    %dma_start3A_96 = tpu.memref_slice %arg14[%dma_start3A_93, %dma_start3A_94, %dma_start3A_95] : memref<2x128x128xf32, #tpu.memory_space<vmem>> -> memref<1x128x128xf32, #tpu.memory_space<vmem>>
    %dma_start3A_97 = tpu.memref_squeeze %dma_start3A_96 : memref<1x128x128xf32, #tpu.memory_space<vmem>> -> memref<128x128xf32, #tpu.memory_space<vmem>>
    %dma_start3A_98 = arith.constant 0 : i32
    %dma_start3A_99 = tpu.memref_slice %arg12[%dma_start3A_92, %dma_start3A_98] : memref<4x128xi32, #tpu.memory_space<vmem>> -> memref<1x128xi32, #tpu.memory_space<vmem>>
    %dma_start3A_100 = tpu.memref_squeeze %dma_start3A_99 : memref<1x128xi32, #tpu.memory_space<vmem>> -> memref<128xi32, #tpu.memory_space<vmem>>
    %dma_start3A_101 = arith.constant 0 : i32
    %dma_start3A_102 = arith.constant 0 : i32
    %dma_start3A_103 = tpu.memref_slice %arg6[%dma_start3A_101, %dma_start3A_102] : memref<100000x128xf32, #tpu.memory_space<hbm>> -> memref<100000x128xf32, #tpu.memory_space<hbm>>
    tpu.enqueue_indirect_dma source(%dma_start3A_103 : memref<100000x128xf32, #tpu.memory_space<hbm>>) target(%dma_start3A_97 : memref<128x128xf32, #tpu.memory_space<vmem>>) offsets(%dma_start3A_100 : memref<128xi32, #tpu.memory_space<vmem>>) semaphore(%arg20 : memref<!tpu.dma_semaphore, #tpu.memory_space<semaphore_mem>>)
    %broadcast_in_dim3A = arith.constant 0.000000e+00 : f32
    %broadcast_in_dim3A_104 = vector.broadcast %broadcast_in_dim3A : f32 to vector<16xf32>
    %dma_start3A_105 = arith.constant 1 : i32
    %dma_start3A_106 = arith.constant 1 : i32
    %dma_start3A_107 = arith.constant 0 : i32
    %dma_start3A_108 = arith.constant 0 : i32
    %dma_start3A_109 = tpu.memref_slice %arg13[%dma_start3A_106, %dma_start3A_107, %dma_start3A_108] : memref<2x128x128xf32, #tpu.memory_space<vmem>> -> memref<1x128x128xf32, #tpu.memory_space<vmem>>
    %dma_start3A_110 = tpu.memref_squeeze %dma_start3A_109 : memref<1x128x128xf32, #tpu.memory_space<vmem>> -> memref<128x128xf32, #tpu.memory_space<vmem>>
    %dma_start3A_111 = arith.constant 0 : i32
    %dma_start3A_112 = tpu.memref_slice %arg11[%dma_start3A_105, %dma_start3A_111] : memref<4x128xi32, #tpu.memory_space<vmem>> -> memref<1x128xi32, #tpu.memory_space<vmem>>
    %dma_start3A_113 = tpu.memref_squeeze %dma_start3A_112 : memref<1x128xi32, #tpu.memory_space<vmem>> -> memref<128xi32, #tpu.memory_space<vmem>>
    %dma_start3A_114 = arith.constant 0 : i32
    %dma_start3A_115 = arith.constant 0 : i32
    %dma_start3A_116 = tpu.memref_slice %arg4[%dma_start3A_114, %dma_start3A_115] : memref<100000x128xf32, #tpu.memory_space<hbm>> -> memref<100000x128xf32, #tpu.memory_space<hbm>>
    tpu.enqueue_indirect_dma source(%dma_start3A_116 : memref<100000x128xf32, #tpu.memory_space<hbm>>) target(%dma_start3A_110 : memref<128x128xf32, #tpu.memory_space<vmem>>) offsets(%dma_start3A_113 : memref<128xi32, #tpu.memory_space<vmem>>) semaphore(%arg19 : memref<!tpu.dma_semaphore, #tpu.memory_space<semaphore_mem>>)
    %dma_start3A_117 = arith.constant 1 : i32
    %dma_start3A_118 = arith.constant 1 : i32
    %dma_start3A_119 = arith.constant 0 : i32
    %dma_start3A_120 = arith.constant 0 : i32
    %dma_start3A_121 = tpu.memref_slice %arg14[%dma_start3A_118, %dma_start3A_119, %dma_start3A_120] : memref<2x128x128xf32, #tpu.memory_space<vmem>> -> memref<1x128x128xf32, #tpu.memory_space<vmem>>
    %dma_start3A_122 = tpu.memref_squeeze %dma_start3A_121 : memref<1x128x128xf32, #tpu.memory_space<vmem>> -> memref<128x128xf32, #tpu.memory_space<vmem>>
    %dma_start3A_123 = arith.constant 0 : i32
    %dma_start3A_124 = tpu.memref_slice %arg12[%dma_start3A_117, %dma_start3A_123] : memref<4x128xi32, #tpu.memory_space<vmem>> -> memref<1x128xi32, #tpu.memory_space<vmem>>
    %dma_start3A_125 = tpu.memref_squeeze %dma_start3A_124 : memref<1x128xi32, #tpu.memory_space<vmem>> -> memref<128xi32, #tpu.memory_space<vmem>>
    %dma_start3A_126 = arith.constant 0 : i32
    %dma_start3A_127 = arith.constant 0 : i32
    %dma_start3A_128 = tpu.memref_slice %arg6[%dma_start3A_126, %dma_start3A_127] : memref<100000x128xf32, #tpu.memory_space<hbm>> -> memref<100000x128xf32, #tpu.memory_space<hbm>>
    tpu.enqueue_indirect_dma source(%dma_start3A_128 : memref<100000x128xf32, #tpu.memory_space<hbm>>) target(%dma_start3A_122 : memref<128x128xf32, #tpu.memory_space<vmem>>) offsets(%dma_start3A_125 : memref<128xi32, #tpu.memory_space<vmem>>) semaphore(%arg21 : memref<!tpu.dma_semaphore, #tpu.memory_space<semaphore_mem>>)
    %dma_wait3A = arith.constant 0 : i32
    %dma_wait3A_129 = arith.constant 0 : i32
    %dma_wait3A_130 = arith.constant 0 : i32
    %dma_wait3A_131 = arith.constant 0 : i32
    %dma_wait3A_132 = tpu.memref_slice %arg13[%dma_wait3A_129, %dma_wait3A_130, %dma_wait3A_131] : memref<2x128x128xf32, #tpu.memory_space<vmem>> -> memref<1x128x128xf32, #tpu.memory_space<vmem>>
    %dma_wait3A_133 = tpu.memref_squeeze %dma_wait3A_132 : memref<1x128x128xf32, #tpu.memory_space<vmem>> -> memref<128x128xf32, #tpu.memory_space<vmem>>
    %dma_wait3A_134 = arith.constant 0 : i32
    %dma_wait3A_135 = tpu.memref_slice %arg11[%dma_wait3A, %dma_wait3A_134] : memref<4x128xi32, #tpu.memory_space<vmem>> -> memref<1x128xi32, #tpu.memory_space<vmem>>
    %dma_wait3A_136 = tpu.memref_squeeze %dma_wait3A_135 : memref<1x128xi32, #tpu.memory_space<vmem>> -> memref<128xi32, #tpu.memory_space<vmem>>
    %dma_wait3A_137 = arith.constant 0 : i32
    %dma_wait3A_138 = arith.constant 0 : i32
    %dma_wait3A_139 = tpu.memref_slice %arg4[%dma_wait3A_137, %dma_wait3A_138] : memref<100000x128xf32, #tpu.memory_space<hbm>> -> memref<100000x128xf32, #tpu.memory_space<hbm>>
    tpu.wait_indirect_dma semaphore(%arg18 : memref<!tpu.dma_semaphore, #tpu.memory_space<semaphore_mem>>) src(%dma_wait3A_139 : memref<100000x128xf32, #tpu.memory_space<hbm>>) dst(%dma_wait3A_133 : memref<128x128xf32, #tpu.memory_space<vmem>>)
    %dma_wait3A_140 = arith.constant 0 : i32
    %dma_wait3A_141 = arith.constant 0 : i32
    %dma_wait3A_142 = arith.constant 0 : i32
    %dma_wait3A_143 = arith.constant 0 : i32
    %dma_wait3A_144 = tpu.memref_slice %arg14[%dma_wait3A_141, %dma_wait3A_142, %dma_wait3A_143] : memref<2x128x128xf32, #tpu.memory_space<vmem>> -> memref<1x128x128xf32, #tpu.memory_space<vmem>>
    %dma_wait3A_145 = tpu.memref_squeeze %dma_wait3A_144 : memref<1x128x128xf32, #tpu.memory_space<vmem>> -> memref<128x128xf32, #tpu.memory_space<vmem>>
    %dma_wait3A_146 = arith.constant 0 : i32
    %dma_wait3A_147 = tpu.memref_slice %arg12[%dma_wait3A_140, %dma_wait3A_146] : memref<4x128xi32, #tpu.memory_space<vmem>> -> memref<1x128xi32, #tpu.memory_space<vmem>>
    %dma_wait3A_148 = tpu.memref_squeeze %dma_wait3A_147 : memref<1x128xi32, #tpu.memory_space<vmem>> -> memref<128xi32, #tpu.memory_space<vmem>>
    %dma_wait3A_149 = arith.constant 0 : i32
    %dma_wait3A_150 = arith.constant 0 : i32
    %dma_wait3A_151 = tpu.memref_slice %arg6[%dma_wait3A_149, %dma_wait3A_150] : memref<100000x128xf32, #tpu.memory_space<hbm>> -> memref<100000x128xf32, #tpu.memory_space<hbm>>
    tpu.wait_indirect_dma semaphore(%arg20 : memref<!tpu.dma_semaphore, #tpu.memory_space<semaphore_mem>>) src(%dma_wait3A_151 : memref<100000x128xf32, #tpu.memory_space<hbm>>) dst(%dma_wait3A_145 : memref<128x128xf32, #tpu.memory_space<vmem>>)
    %scan3A = arith.constant 0 : i32
    %scan3A_152 = arith.constant 128 : i32
    %scan3A_153 = arith.addi %scan3A, %scan3A_152 : i32
    %scan3A_154 = arith.constant 1 : i32
    %scan3A_155 = scf.for %scan3A_378 = %scan3A to %scan3A_153 step %scan3A_154 iter_args(%scan3A_379 = %broadcast_in_dim3A_104) -> (vector<16xf32>)  : i32 {
      %get3A = arith.constant 0 : i32
      %get3A_380 = arith.index_cast %get3A : i32 to index
      %get3A_381 = arith.index_cast %scan3A_378 : i32 to index
      %get3A_382 = arith.constant 0 : index
      %get3A_383 = tpu.vector_load %arg13[%get3A_380, %get3A_381, %get3A_382] {strides = array<i32>} : memref<2x128x128xf32, #tpu.memory_space<vmem>>, vector<1x1x16xf32>,
      %get3A_384 = vector.shape_cast %get3A_383 : vector<1x1x16xf32> to vector<16xf32>
      %get3A_385 = arith.constant 0 : i32
      %get3A_386 = arith.index_cast %get3A_385 : i32 to index
      %get3A_387 = arith.index_cast %scan3A_378 : i32 to index
      %get3A_388 = arith.constant 0 : index
      %get3A_389 = tpu.vector_load %arg14[%get3A_386, %get3A_387, %get3A_388] {strides = array<i32>} : memref<2x128x128xf32, #tpu.memory_space<vmem>>, vector<1x1x16xf32>,
      %get3A_390 = vector.shape_cast %get3A_389 : vector<1x1x16xf32> to vector<16xf32>
      %mul3A_391 = arith.mulf %get3A_384, %get3A_390 : vector<16xf32>
      %add3A_392 = arith.addf %scan3A_379, %mul3A_391 : vector<16xf32>
      %get3A_393 = arith.constant 0 : i32
      %get3A_394 = arith.index_cast %get3A_393 : i32 to index
      %get3A_395 = arith.index_cast %scan3A_378 : i32 to index
      %get3A_396 = arith.constant 16 : index
      %get3A_397 = tpu.vector_load %arg13[%get3A_394, %get3A_395, %get3A_396] {strides = array<i32>} : memref<2x128x128xf32, #tpu.memory_space<vmem>>, vector<1x1x16xf32>,
      %get3A_398 = vector.shape_cast %get3A_397 : vector<1x1x16xf32> to vector<16xf32>
      %get3A_399 = arith.constant 0 : i32
      %get3A_400 = arith.index_cast %get3A_399 : i32 to index
      %get3A_401 = arith.index_cast %scan3A_378 : i32 to index
      %get3A_402 = arith.constant 16 : index
      %get3A_403 = tpu.vector_load %arg14[%get3A_400, %get3A_401, %get3A_402] {strides = array<i32>} : memref<2x128x128xf32, #tpu.memory_space<vmem>>, vector<1x1x16xf32>,
      %get3A_404 = vector.shape_cast %get3A_403 : vector<1x1x16xf32> to vector<16xf32>
      %mul3A_405 = arith.mulf %get3A_398, %get3A_404 : vector<16xf32>
      %add3A_406 = arith.addf %add3A_392, %mul3A_405 : vector<16xf32>
      %get3A_407 = arith.constant 0 : i32
      %get3A_408 = arith.index_cast %get3A_407 : i32 to index
      %get3A_409 = arith.index_cast %scan3A_378 : i32 to index
      %get3A_410 = arith.constant 32 : index
      %get3A_411 = tpu.vector_load %arg13[%get3A_408, %get3A_409, %get3A_410] {strides = array<i32>} : memref<2x128x128xf32, #tpu.memory_space<vmem>>, vector<1x1x16xf32>,
      %get3A_412 = vector.shape_cast %get3A_411 : vector<1x1x16xf32> to vector<16xf32>
      %get3A_413 = arith.constant 0 : i32
      %get3A_414 = arith.index_cast %get3A_413 : i32 to index
      %get3A_415 = arith.index_cast %scan3A_378 : i32 to index
      %get3A_416 = arith.constant 32 : index
      %get3A_417 = tpu.vector_load %arg14[%get3A_414, %get3A_415, %get3A_416] {strides = array<i32>} : memref<2x128x128xf32, #tpu.memory_space<vmem>>, vector<1x1x16xf32>,
      %get3A_418 = vector.shape_cast %get3A_417 : vector<1x1x16xf32> to vector<16xf32>
      %mul3A_419 = arith.mulf %get3A_412, %get3A_418 : vector<16xf32>
      %add3A_420 = arith.addf %add3A_406, %mul3A_419 : vector<16xf32>
      %get3A_421 = arith.constant 0 : i32
      %get3A_422 = arith.index_cast %get3A_421 : i32 to index
      %get3A_423 = arith.index_cast %scan3A_378 : i32 to index
      %get3A_424 = arith.constant 48 : index
      %get3A_425 = tpu.vector_load %arg13[%get3A_422, %get3A_423, %get3A_424] {strides = array<i32>} : memref<2x128x128xf32, #tpu.memory_space<vmem>>, vector<1x1x16xf32>,
      %get3A_426 = vector.shape_cast %get3A_425 : vector<1x1x16xf32> to vector<16xf32>
      %get3A_427 = arith.constant 0 : i32
      %get3A_428 = arith.index_cast %get3A_427 : i32 to index
      %get3A_429 = arith.index_cast %scan3A_378 : i32 to index
      %get3A_430 = arith.constant 48 : index
      %get3A_431 = tpu.vector_load %arg14[%get3A_428, %get3A_429, %get3A_430] {strides = array<i32>} : memref<2x128x128xf32, #tpu.memory_space<vmem>>, vector<1x1x16xf32>,
      %get3A_432 = vector.shape_cast %get3A_431 : vector<1x1x16xf32> to vector<16xf32>
      %mul3A_433 = arith.mulf %get3A_426, %get3A_432 : vector<16xf32>
      %add3A_434 = arith.addf %add3A_420, %mul3A_433 : vector<16xf32>
      %get3A_435 = arith.constant 0 : i32
      %get3A_436 = arith.index_cast %get3A_435 : i32 to index
      %get3A_437 = arith.index_cast %scan3A_378 : i32 to index
      %get3A_438 = arith.constant 64 : index
      %get3A_439 = tpu.vector_load %arg13[%get3A_436, %get3A_437, %get3A_438] {strides = array<i32>} : memref<2x128x128xf32, #tpu.memory_space<vmem>>, vector<1x1x16xf32>,
      %get3A_440 = vector.shape_cast %get3A_439 : vector<1x1x16xf32> to vector<16xf32>
      %get3A_441 = arith.constant 0 : i32
      %get3A_442 = arith.index_cast %get3A_441 : i32 to index
      %get3A_443 = arith.index_cast %scan3A_378 : i32 to index
      %get3A_444 = arith.constant 64 : index
      %get3A_445 = tpu.vector_load %arg14[%get3A_442, %get3A_443, %get3A_444] {strides = array<i32>} : memref<2x128x128xf32, #tpu.memory_space<vmem>>, vector<1x1x16xf32>,
      %get3A_446 = vector.shape_cast %get3A_445 : vector<1x1x16xf32> to vector<16xf32>
      %mul3A_447 = arith.mulf %get3A_440, %get3A_446 : vector<16xf32>
      %add3A_448 = arith.addf %add3A_434, %mul3A_447 : vector<16xf32>
      %get3A_449 = arith.constant 0 : i32
      %get3A_450 = arith.index_cast %get3A_449 : i32 to index
      %get3A_451 = arith.index_cast %scan3A_378 : i32 to index
      %get3A_452 = arith.constant 80 : index
      %get3A_453 = tpu.vector_load %arg13[%get3A_450, %get3A_451, %get3A_452] {strides = array<i32>} : memref<2x128x128xf32, #tpu.memory_space<vmem>>, vector<1x1x16xf32>,
      %get3A_454 = vector.shape_cast %get3A_453 : vector<1x1x16xf32> to vector<16xf32>
      %get3A_455 = arith.constant 0 : i32
      %get3A_456 = arith.index_cast %get3A_455 : i32 to index
      %get3A_457 = arith.index_cast %scan3A_378 : i32 to index
      %get3A_458 = arith.constant 80 : index
      %get3A_459 = tpu.vector_load %arg14[%get3A_456, %get3A_457, %get3A_458] {strides = array<i32>} : memref<2x128x128xf32, #tpu.memory_space<vmem>>, vector<1x1x16xf32>,
      %get3A_460 = vector.shape_cast %get3A_459 : vector<1x1x16xf32> to vector<16xf32>
      %mul3A_461 = arith.mulf %get3A_454, %get3A_460 : vector<16xf32>
      %add3A_462 = arith.addf %add3A_448, %mul3A_461 : vector<16xf32>
      %get3A_463 = arith.constant 0 : i32
      %get3A_464 = arith.index_cast %get3A_463 : i32 to index
      %get3A_465 = arith.index_cast %scan3A_378 : i32 to index
      %get3A_466 = arith.constant 96 : index
      %get3A_467 = tpu.vector_load %arg13[%get3A_464, %get3A_465, %get3A_466] {strides = array<i32>} : memref<2x128x128xf32, #tpu.memory_space<vmem>>, vector<1x1x16xf32>,
      %get3A_468 = vector.shape_cast %get3A_467 : vector<1x1x16xf32> to vector<16xf32>
      %get3A_469 = arith.constant 0 : i32
      %get3A_470 = arith.index_cast %get3A_469 : i32 to index
      %get3A_471 = arith.index_cast %scan3A_378 : i32 to index
      %get3A_472 = arith.constant 96 : index
      %get3A_473 = tpu.vector_load %arg14[%get3A_470, %get3A_471, %get3A_472] {strides = array<i32>} : memref<2x128x128xf32, #tpu.memory_space<vmem>>, vector<1x1x16xf32>,
      %get3A_474 = vector.shape_cast %get3A_473 : vector<1x1x16xf32> to vector<16xf32>
      %mul3A_475 = arith.mulf %get3A_468, %get3A_474 : vector<16xf32>
      %add3A_476 = arith.addf %add3A_462, %mul3A_475 : vector<16xf32>
      %get3A_477 = arith.constant 0 : i32
      %get3A_478 = arith.index_cast %get3A_477 : i32 to index
      %get3A_479 = arith.index_cast %scan3A_378 : i32 to index
      %get3A_480 = arith.constant 112 : index
      %get3A_481 = tpu.vector_load %arg13[%get3A_478, %get3A_479, %get3A_480] {strides = array<i32>} : memref<2x128x128xf32, #tpu.memory_space<vmem>>, vector<1x1x16xf32>,
      %get3A_482 = vector.shape_cast %get3A_481 : vector<1x1x16xf32> to vector<16xf32>
      %get3A_483 = arith.constant 0 : i32
      %get3A_484 = arith.index_cast %get3A_483 : i32 to index
      %get3A_485 = arith.index_cast %scan3A_378 : i32 to index
      %get3A_486 = arith.constant 112 : index
      %get3A_487 = tpu.vector_load %arg14[%get3A_484, %get3A_485, %get3A_486] {strides = array<i32>} : memref<2x128x128xf32, #tpu.memory_space<vmem>>, vector<1x1x16xf32>,
      %get3A_488 = vector.shape_cast %get3A_487 : vector<1x1x16xf32> to vector<16xf32>
      %mul3A_489 = arith.mulf %get3A_482, %get3A_488 : vector<16xf32>
      %add3A_490 = arith.addf %add3A_476, %mul3A_489 : vector<16xf32>
      scf.yield %add3A_490 : vector<16xf32>
    }
    %scan3A_156 = arith.constant 128 : i32
    %dma_start3A_157 = arith.constant 2 : i32
    %dma_start3A_158 = arith.constant 0 : i32
    %dma_start3A_159 = arith.constant 0 : i32
    %dma_start3A_160 = arith.constant 0 : i32
    %dma_start3A_161 = tpu.memref_slice %arg13[%dma_start3A_158, %dma_start3A_159, %dma_start3A_160] : memref<2x128x128xf32, #tpu.memory_space<vmem>> -> memref<1x128x128xf32, #tpu.memory_space<vmem>>
    %dma_start3A_162 = tpu.memref_squeeze %dma_start3A_161 : memref<1x128x128xf32, #tpu.memory_space<vmem>> -> memref<128x128xf32, #tpu.memory_space<vmem>>
    %dma_start3A_163 = arith.constant 0 : i32
    %dma_start3A_164 = tpu.memref_slice %arg11[%dma_start3A_157, %dma_start3A_163] : memref<4x128xi32, #tpu.memory_space<vmem>> -> memref<1x128xi32, #tpu.memory_space<vmem>>
    %dma_start3A_165 = tpu.memref_squeeze %dma_start3A_164 : memref<1x128xi32, #tpu.memory_space<vmem>> -> memref<128xi32, #tpu.memory_space<vmem>>
    %dma_start3A_166 = arith.constant 0 : i32
    %dma_start3A_167 = arith.constant 0 : i32
    %dma_start3A_168 = tpu.memref_slice %arg4[%dma_start3A_166, %dma_start3A_167] : memref<100000x128xf32, #tpu.memory_space<hbm>> -> memref<100000x128xf32, #tpu.memory_space<hbm>>
    tpu.enqueue_indirect_dma source(%dma_start3A_168 : memref<100000x128xf32, #tpu.memory_space<hbm>>) target(%dma_start3A_162 : memref<128x128xf32, #tpu.memory_space<vmem>>) offsets(%dma_start3A_165 : memref<128xi32, #tpu.memory_space<vmem>>) semaphore(%arg18 : memref<!tpu.dma_semaphore, #tpu.memory_space<semaphore_mem>>)
    %dma_start3A_169 = arith.constant 2 : i32
    %dma_start3A_170 = arith.constant 0 : i32
    %dma_start3A_171 = arith.constant 0 : i32
    %dma_start3A_172 = arith.constant 0 : i32
    %dma_start3A_173 = tpu.memref_slice %arg14[%dma_start3A_170, %dma_start3A_171, %dma_start3A_172] : memref<2x128x128xf32, #tpu.memory_space<vmem>> -> memref<1x128x128xf32, #tpu.memory_space<vmem>>
    %dma_start3A_174 = tpu.memref_squeeze %dma_start3A_173 : memref<1x128x128xf32, #tpu.memory_space<vmem>> -> memref<128x128xf32, #tpu.memory_space<vmem>>
    %dma_start3A_175 = arith.constant 0 : i32
    %dma_start3A_176 = tpu.memref_slice %arg12[%dma_start3A_169, %dma_start3A_175] : memref<4x128xi32, #tpu.memory_space<vmem>> -> memref<1x128xi32, #tpu.memory_space<vmem>>
    %dma_start3A_177 = tpu.memref_squeeze %dma_start3A_176 : memref<1x128xi32, #tpu.memory_space<vmem>> -> memref<128xi32, #tpu.memory_space<vmem>>
    %dma_start3A_178 = arith.constant 0 : i32
    %dma_start3A_179 = arith.constant 0 : i32
    %dma_start3A_180 = tpu.memref_slice %arg6[%dma_start3A_178, %dma_start3A_179] : memref<100000x128xf32, #tpu.memory_space<hbm>> -> memref<100000x128xf32, #tpu.memory_space<hbm>>
    tpu.enqueue_indirect_dma source(%dma_start3A_180 : memref<100000x128xf32, #tpu.memory_space<hbm>>) target(%dma_start3A_174 : memref<128x128xf32, #tpu.memory_space<vmem>>) offsets(%dma_start3A_177 : memref<128xi32, #tpu.memory_space<vmem>>) semaphore(%arg20 : memref<!tpu.dma_semaphore, #tpu.memory_space<semaphore_mem>>)
    %dma_wait3A_181 = arith.constant 1 : i32
    %dma_wait3A_182 = arith.constant 1 : i32
    %dma_wait3A_183 = arith.constant 0 : i32
    %dma_wait3A_184 = arith.constant 0 : i32
    %dma_wait3A_185 = tpu.memref_slice %arg13[%dma_wait3A_182, %dma_wait3A_183, %dma_wait3A_184] : memref<2x128x128xf32, #tpu.memory_space<vmem>> -> memref<1x128x128xf32, #tpu.memory_space<vmem>>
    %dma_wait3A_186 = tpu.memref_squeeze %dma_wait3A_185 : memref<1x128x128xf32, #tpu.memory_space<vmem>> -> memref<128x128xf32, #tpu.memory_space<vmem>>
    %dma_wait3A_187 = arith.constant 0 : i32
    %dma_wait3A_188 = tpu.memref_slice %arg11[%dma_wait3A_181, %dma_wait3A_187] : memref<4x128xi32, #tpu.memory_space<vmem>> -> memref<1x128xi32, #tpu.memory_space<vmem>>
    %dma_wait3A_189 = tpu.memref_squeeze %dma_wait3A_188 : memref<1x128xi32, #tpu.memory_space<vmem>> -> memref<128xi32, #tpu.memory_space<vmem>>
    %dma_wait3A_190 = arith.constant 0 : i32
    %dma_wait3A_191 = arith.constant 0 : i32
    %dma_wait3A_192 = tpu.memref_slice %arg4[%dma_wait3A_190, %dma_wait3A_191] : memref<100000x128xf32, #tpu.memory_space<hbm>> -> memref<100000x128xf32, #tpu.memory_space<hbm>>
    tpu.wait_indirect_dma semaphore(%arg19 : memref<!tpu.dma_semaphore, #tpu.memory_space<semaphore_mem>>) src(%dma_wait3A_192 : memref<100000x128xf32, #tpu.memory_space<hbm>>) dst(%dma_wait3A_186 : memref<128x128xf32, #tpu.memory_space<vmem>>)
    %dma_wait3A_193 = arith.constant 1 : i32
    %dma_wait3A_194 = arith.constant 1 : i32
    %dma_wait3A_195 = arith.constant 0 : i32
    %dma_wait3A_196 = arith.constant 0 : i32
    %dma_wait3A_197 = tpu.memref_slice %arg14[%dma_wait3A_194, %dma_wait3A_195, %dma_wait3A_196] : memref<2x128x128xf32, #tpu.memory_space<vmem>> -> memref<1x128x128xf32, #tpu.memory_space<vmem>>
    %dma_wait3A_198 = tpu.memref_squeeze %dma_wait3A_197 : memref<1x128x128xf32, #tpu.memory_space<vmem>> -> memref<128x128xf32, #tpu.memory_space<vmem>>
    %dma_wait3A_199 = arith.constant 0 : i32
    %dma_wait3A_200 = tpu.memref_slice %arg12[%dma_wait3A_193, %dma_wait3A_199] : memref<4x128xi32, #tpu.memory_space<vmem>> -> memref<1x128xi32, #tpu.memory_space<vmem>>
    %dma_wait3A_201 = tpu.memref_squeeze %dma_wait3A_200 : memref<1x128xi32, #tpu.memory_space<vmem>> -> memref<128xi32, #tpu.memory_space<vmem>>
    %dma_wait3A_202 = arith.constant 0 : i32
    %dma_wait3A_203 = arith.constant 0 : i32
    %dma_wait3A_204 = tpu.memref_slice %arg6[%dma_wait3A_202, %dma_wait3A_203] : memref<100000x128xf32, #tpu.memory_space<hbm>> -> memref<100000x128xf32, #tpu.memory_space<hbm>>
    tpu.wait_indirect_dma semaphore(%arg21 : memref<!tpu.dma_semaphore, #tpu.memory_space<semaphore_mem>>) src(%dma_wait3A_204 : memref<100000x128xf32, #tpu.memory_space<hbm>>) dst(%dma_wait3A_198 : memref<128x128xf32, #tpu.memory_space<vmem>>)
    %scan3A_205 = arith.constant 0 : i32
    %scan3A_206 = arith.constant 128 : i32
    %scan3A_207 = arith.addi %scan3A_205, %scan3A_206 : i32
    %scan3A_208 = arith.constant 1 : i32
    %scan3A_209 = scf.for %scan3A_378 = %scan3A_205 to %scan3A_207 step %scan3A_208 iter_args(%scan3A_379 = %scan3A_155) -> (vector<16xf32>)  : i32 {
      %get3A = arith.constant 1 : i32
      %get3A_380 = arith.index_cast %get3A : i32 to index
      %get3A_381 = arith.index_cast %scan3A_378 : i32 to index
      %get3A_382 = arith.constant 0 : index
      %get3A_383 = tpu.vector_load %arg13[%get3A_380, %get3A_381, %get3A_382] {strides = array<i32>} : memref<2x128x128xf32, #tpu.memory_space<vmem>>, vector<1x1x16xf32>,
      %get3A_384 = vector.shape_cast %get3A_383 : vector<1x1x16xf32> to vector<16xf32>
      %get3A_385 = arith.constant 1 : i32
      %get3A_386 = arith.index_cast %get3A_385 : i32 to index
      %get3A_387 = arith.index_cast %scan3A_378 : i32 to index
      %get3A_388 = arith.constant 0 : index
      %get3A_389 = tpu.vector_load %arg14[%get3A_386, %get3A_387, %get3A_388] {strides = array<i32>} : memref<2x128x128xf32, #tpu.memory_space<vmem>>, vector<1x1x16xf32>,
      %get3A_390 = vector.shape_cast %get3A_389 : vector<1x1x16xf32> to vector<16xf32>
      %mul3A_391 = arith.mulf %get3A_384, %get3A_390 : vector<16xf32>
      %add3A_392 = arith.addf %scan3A_379, %mul3A_391 : vector<16xf32>
      %get3A_393 = arith.constant 1 : i32
      %get3A_394 = arith.index_cast %get3A_393 : i32 to index
      %get3A_395 = arith.index_cast %scan3A_378 : i32 to index
      %get3A_396 = arith.constant 16 : index
      %get3A_397 = tpu.vector_load %arg13[%get3A_394, %get3A_395, %get3A_396] {strides = array<i32>} : memref<2x128x128xf32, #tpu.memory_space<vmem>>, vector<1x1x16xf32>,
      %get3A_398 = vector.shape_cast %get3A_397 : vector<1x1x16xf32> to vector<16xf32>
      %get3A_399 = arith.constant 1 : i32
      %get3A_400 = arith.index_cast %get3A_399 : i32 to index
      %get3A_401 = arith.index_cast %scan3A_378 : i32 to index
      %get3A_402 = arith.constant 16 : index
      %get3A_403 = tpu.vector_load %arg14[%get3A_400, %get3A_401, %get3A_402] {strides = array<i32>} : memref<2x128x128xf32, #tpu.memory_space<vmem>>, vector<1x1x16xf32>,
      %get3A_404 = vector.shape_cast %get3A_403 : vector<1x1x16xf32> to vector<16xf32>
      %mul3A_405 = arith.mulf %get3A_398, %get3A_404 : vector<16xf32>
      %add3A_406 = arith.addf %add3A_392, %mul3A_405 : vector<16xf32>
      %get3A_407 = arith.constant 1 : i32
      %get3A_408 = arith.index_cast %get3A_407 : i32 to index
      %get3A_409 = arith.index_cast %scan3A_378 : i32 to index
      %get3A_410 = arith.constant 32 : index
      %get3A_411 = tpu.vector_load %arg13[%get3A_408, %get3A_409, %get3A_410] {strides = array<i32>} : memref<2x128x128xf32, #tpu.memory_space<vmem>>, vector<1x1x16xf32>,
      %get3A_412 = vector.shape_cast %get3A_411 : vector<1x1x16xf32> to vector<16xf32>
      %get3A_413 = arith.constant 1 : i32
      %get3A_414 = arith.index_cast %get3A_413 : i32 to index
      %get3A_415 = arith.index_cast %scan3A_378 : i32 to index
      %get3A_416 = arith.constant 32 : index
      %get3A_417 = tpu.vector_load %arg14[%get3A_414, %get3A_415, %get3A_416] {strides = array<i32>} : memref<2x128x128xf32, #tpu.memory_space<vmem>>, vector<1x1x16xf32>,
      %get3A_418 = vector.shape_cast %get3A_417 : vector<1x1x16xf32> to vector<16xf32>
      %mul3A_419 = arith.mulf %get3A_412, %get3A_418 : vector<16xf32>
      %add3A_420 = arith.addf %add3A_406, %mul3A_419 : vector<16xf32>
      %get3A_421 = arith.constant 1 : i32
      %get3A_422 = arith.index_cast %get3A_421 : i32 to index
      %get3A_423 = arith.index_cast %scan3A_378 : i32 to index
      %get3A_424 = arith.constant 48 : index
      %get3A_425 = tpu.vector_load %arg13[%get3A_422, %get3A_423, %get3A_424] {strides = array<i32>} : memref<2x128x128xf32, #tpu.memory_space<vmem>>, vector<1x1x16xf32>,
      %get3A_426 = vector.shape_cast %get3A_425 : vector<1x1x16xf32> to vector<16xf32>
      %get3A_427 = arith.constant 1 : i32
      %get3A_428 = arith.index_cast %get3A_427 : i32 to index
      %get3A_429 = arith.index_cast %scan3A_378 : i32 to index
      %get3A_430 = arith.constant 48 : index
      %get3A_431 = tpu.vector_load %arg14[%get3A_428, %get3A_429, %get3A_430] {strides = array<i32>} : memref<2x128x128xf32, #tpu.memory_space<vmem>>, vector<1x1x16xf32>,
      %get3A_432 = vector.shape_cast %get3A_431 : vector<1x1x16xf32> to vector<16xf32>
      %mul3A_433 = arith.mulf %get3A_426, %get3A_432 : vector<16xf32>
      %add3A_434 = arith.addf %add3A_420, %mul3A_433 : vector<16xf32>
      %get3A_435 = arith.constant 1 : i32
      %get3A_436 = arith.index_cast %get3A_435 : i32 to index
      %get3A_437 = arith.index_cast %scan3A_378 : i32 to index
      %get3A_438 = arith.constant 64 : index
      %get3A_439 = tpu.vector_load %arg13[%get3A_436, %get3A_437, %get3A_438] {strides = array<i32>} : memref<2x128x128xf32, #tpu.memory_space<vmem>>, vector<1x1x16xf32>,
      %get3A_440 = vector.shape_cast %get3A_439 : vector<1x1x16xf32> to vector<16xf32>
      %get3A_441 = arith.constant 1 : i32
      %get3A_442 = arith.index_cast %get3A_441 : i32 to index
      %get3A_443 = arith.index_cast %scan3A_378 : i32 to index
      %get3A_444 = arith.constant 64 : index
      %get3A_445 = tpu.vector_load %arg14[%get3A_442, %get3A_443, %get3A_444] {strides = array<i32>} : memref<2x128x128xf32, #tpu.memory_space<vmem>>, vector<1x1x16xf32>,
      %get3A_446 = vector.shape_cast %get3A_445 : vector<1x1x16xf32> to vector<16xf32>
      %mul3A_447 = arith.mulf %get3A_440, %get3A_446 : vector<16xf32>
      %add3A_448 = arith.addf %add3A_434, %mul3A_447 : vector<16xf32>
      %get3A_449 = arith.constant 1 : i32
      %get3A_450 = arith.index_cast %get3A_449 : i32 to index
      %get3A_451 = arith.index_cast %scan3A_378 : i32 to index
      %get3A_452 = arith.constant 80 : index
      %get3A_453 = tpu.vector_load %arg13[%get3A_450, %get3A_451, %get3A_452] {strides = array<i32>} : memref<2x128x128xf32, #tpu.memory_space<vmem>>, vector<1x1x16xf32>,
      %get3A_454 = vector.shape_cast %get3A_453 : vector<1x1x16xf32> to vector<16xf32>
      %get3A_455 = arith.constant 1 : i32
      %get3A_456 = arith.index_cast %get3A_455 : i32 to index
      %get3A_457 = arith.index_cast %scan3A_378 : i32 to index
      %get3A_458 = arith.constant 80 : index
      %get3A_459 = tpu.vector_load %arg14[%get3A_456, %get3A_457, %get3A_458] {strides = array<i32>} : memref<2x128x128xf32, #tpu.memory_space<vmem>>, vector<1x1x16xf32>,
      %get3A_460 = vector.shape_cast %get3A_459 : vector<1x1x16xf32> to vector<16xf32>
      %mul3A_461 = arith.mulf %get3A_454, %get3A_460 : vector<16xf32>
      %add3A_462 = arith.addf %add3A_448, %mul3A_461 : vector<16xf32>
      %get3A_463 = arith.constant 1 : i32
      %get3A_464 = arith.index_cast %get3A_463 : i32 to index
      %get3A_465 = arith.index_cast %scan3A_378 : i32 to index
      %get3A_466 = arith.constant 96 : index
      %get3A_467 = tpu.vector_load %arg13[%get3A_464, %get3A_465, %get3A_466] {strides = array<i32>} : memref<2x128x128xf32, #tpu.memory_space<vmem>>, vector<1x1x16xf32>,
      %get3A_468 = vector.shape_cast %get3A_467 : vector<1x1x16xf32> to vector<16xf32>
      %get3A_469 = arith.constant 1 : i32
      %get3A_470 = arith.index_cast %get3A_469 : i32 to index
      %get3A_471 = arith.index_cast %scan3A_378 : i32 to index
      %get3A_472 = arith.constant 96 : index
      %get3A_473 = tpu.vector_load %arg14[%get3A_470, %get3A_471, %get3A_472] {strides = array<i32>} : memref<2x128x128xf32, #tpu.memory_space<vmem>>, vector<1x1x16xf32>,
      %get3A_474 = vector.shape_cast %get3A_473 : vector<1x1x16xf32> to vector<16xf32>
      %mul3A_475 = arith.mulf %get3A_468, %get3A_474 : vector<16xf32>
      %add3A_476 = arith.addf %add3A_462, %mul3A_475 : vector<16xf32>
      %get3A_477 = arith.constant 1 : i32
      %get3A_478 = arith.index_cast %get3A_477 : i32 to index
      %get3A_479 = arith.index_cast %scan3A_378 : i32 to index
      %get3A_480 = arith.constant 112 : index
      %get3A_481 = tpu.vector_load %arg13[%get3A_478, %get3A_479, %get3A_480] {strides = array<i32>} : memref<2x128x128xf32, #tpu.memory_space<vmem>>, vector<1x1x16xf32>,
      %get3A_482 = vector.shape_cast %get3A_481 : vector<1x1x16xf32> to vector<16xf32>
      %get3A_483 = arith.constant 1 : i32
      %get3A_484 = arith.index_cast %get3A_483 : i32 to index
      %get3A_485 = arith.index_cast %scan3A_378 : i32 to index
      %get3A_486 = arith.constant 112 : index
      %get3A_487 = tpu.vector_load %arg14[%get3A_484, %get3A_485, %get3A_486] {strides = array<i32>} : memref<2x128x128xf32, #tpu.memory_space<vmem>>, vector<1x1x16xf32>,
      %get3A_488 = vector.shape_cast %get3A_487 : vector<1x1x16xf32> to vector<16xf32>
      %mul3A_489 = arith.mulf %get3A_482, %get3A_488 : vector<16xf32>
      %add3A_490 = arith.addf %add3A_476, %mul3A_489 : vector<16xf32>
      scf.yield %add3A_490 : vector<16xf32>
    }
    %scan3A_210 = arith.constant 128 : i32
    %dma_start3A_211 = arith.constant 3 : i32
    %dma_start3A_212 = arith.constant 1 : i32
    %dma_start3A_213 = arith.constant 0 : i32
    %dma_start3A_214 = arith.constant 0 : i32
    %dma_start3A_215 = tpu.memref_slice %arg13[%dma_start3A_212, %dma_start3A_213, %dma_start3A_214] : memref<2x128x128xf32, #tpu.memory_space<vmem>> -> memref<1x128x128xf32, #tpu.memory_space<vmem>>
    %dma_start3A_216 = tpu.memref_squeeze %dma_start3A_215 : memref<1x128x128xf32, #tpu.memory_space<vmem>> -> memref<128x128xf32, #tpu.memory_space<vmem>>
    %dma_start3A_217 = arith.constant 0 : i32
    %dma_start3A_218 = tpu.memref_slice %arg11[%dma_start3A_211, %dma_start3A_217] : memref<4x128xi32, #tpu.memory_space<vmem>> -> memref<1x128xi32, #tpu.memory_space<vmem>>
    %dma_start3A_219 = tpu.memref_squeeze %dma_start3A_218 : memref<1x128xi32, #tpu.memory_space<vmem>> -> memref<128xi32, #tpu.memory_space<vmem>>
    %dma_start3A_220 = arith.constant 0 : i32
    %dma_start3A_221 = arith.constant 0 : i32
    %dma_start3A_222 = tpu.memref_slice %arg4[%dma_start3A_220, %dma_start3A_221] : memref<100000x128xf32, #tpu.memory_space<hbm>> -> memref<100000x128xf32, #tpu.memory_space<hbm>>
    tpu.enqueue_indirect_dma source(%dma_start3A_222 : memref<100000x128xf32, #tpu.memory_space<hbm>>) target(%dma_start3A_216 : memref<128x128xf32, #tpu.memory_space<vmem>>) offsets(%dma_start3A_219 : memref<128xi32, #tpu.memory_space<vmem>>) semaphore(%arg19 : memref<!tpu.dma_semaphore, #tpu.memory_space<semaphore_mem>>)
    %dma_start3A_223 = arith.constant 3 : i32
    %dma_start3A_224 = arith.constant 1 : i32
    %dma_start3A_225 = arith.constant 0 : i32
    %dma_start3A_226 = arith.constant 0 : i32
    %dma_start3A_227 = tpu.memref_slice %arg14[%dma_start3A_224, %dma_start3A_225, %dma_start3A_226] : memref<2x128x128xf32, #tpu.memory_space<vmem>> -> memref<1x128x128xf32, #tpu.memory_space<vmem>>
    %dma_start3A_228 = tpu.memref_squeeze %dma_start3A_227 : memref<1x128x128xf32, #tpu.memory_space<vmem>> -> memref<128x128xf32, #tpu.memory_space<vmem>>
    %dma_start3A_229 = arith.constant 0 : i32
    %dma_start3A_230 = tpu.memref_slice %arg12[%dma_start3A_223, %dma_start3A_229] : memref<4x128xi32, #tpu.memory_space<vmem>> -> memref<1x128xi32, #tpu.memory_space<vmem>>
    %dma_start3A_231 = tpu.memref_squeeze %dma_start3A_230 : memref<1x128xi32, #tpu.memory_space<vmem>> -> memref<128xi32, #tpu.memory_space<vmem>>
    %dma_start3A_232 = arith.constant 0 : i32
    %dma_start3A_233 = arith.constant 0 : i32
    %dma_start3A_234 = tpu.memref_slice %arg6[%dma_start3A_232, %dma_start3A_233] : memref<100000x128xf32, #tpu.memory_space<hbm>> -> memref<100000x128xf32, #tpu.memory_space<hbm>>
    tpu.enqueue_indirect_dma source(%dma_start3A_234 : memref<100000x128xf32, #tpu.memory_space<hbm>>) target(%dma_start3A_228 : memref<128x128xf32, #tpu.memory_space<vmem>>) offsets(%dma_start3A_231 : memref<128xi32, #tpu.memory_space<vmem>>) semaphore(%arg21 : memref<!tpu.dma_semaphore, #tpu.memory_space<semaphore_mem>>)
    %dma_wait3A_235 = arith.constant 2 : i32
    %dma_wait3A_236 = arith.constant 0 : i32
    %dma_wait3A_237 = arith.constant 0 : i32
    %dma_wait3A_238 = arith.constant 0 : i32
    %dma_wait3A_239 = tpu.memref_slice %arg13[%dma_wait3A_236, %dma_wait3A_237, %dma_wait3A_238] : memref<2x128x128xf32, #tpu.memory_space<vmem>> -> memref<1x128x128xf32, #tpu.memory_space<vmem>>
    %dma_wait3A_240 = tpu.memref_squeeze %dma_wait3A_239 : memref<1x128x128xf32, #tpu.memory_space<vmem>> -> memref<128x128xf32, #tpu.memory_space<vmem>>
    %dma_wait3A_241 = arith.constant 0 : i32
    %dma_wait3A_242 = tpu.memref_slice %arg11[%dma_wait3A_235, %dma_wait3A_241] : memref<4x128xi32, #tpu.memory_space<vmem>> -> memref<1x128xi32, #tpu.memory_space<vmem>>
    %dma_wait3A_243 = tpu.memref_squeeze %dma_wait3A_242 : memref<1x128xi32, #tpu.memory_space<vmem>> -> memref<128xi32, #tpu.memory_space<vmem>>
    %dma_wait3A_244 = arith.constant 0 : i32
    %dma_wait3A_245 = arith.constant 0 : i32
    %dma_wait3A_246 = tpu.memref_slice %arg4[%dma_wait3A_244, %dma_wait3A_245] : memref<100000x128xf32, #tpu.memory_space<hbm>> -> memref<100000x128xf32, #tpu.memory_space<hbm>>
    tpu.wait_indirect_dma semaphore(%arg18 : memref<!tpu.dma_semaphore, #tpu.memory_space<semaphore_mem>>) src(%dma_wait3A_246 : memref<100000x128xf32, #tpu.memory_space<hbm>>) dst(%dma_wait3A_240 : memref<128x128xf32, #tpu.memory_space<vmem>>)
    %dma_wait3A_247 = arith.constant 2 : i32
    %dma_wait3A_248 = arith.constant 0 : i32
    %dma_wait3A_249 = arith.constant 0 : i32
    %dma_wait3A_250 = arith.constant 0 : i32
    %dma_wait3A_251 = tpu.memref_slice %arg14[%dma_wait3A_248, %dma_wait3A_249, %dma_wait3A_250] : memref<2x128x128xf32, #tpu.memory_space<vmem>> -> memref<1x128x128xf32, #tpu.memory_space<vmem>>
    %dma_wait3A_252 = tpu.memref_squeeze %dma_wait3A_251 : memref<1x128x128xf32, #tpu.memory_space<vmem>> -> memref<128x128xf32, #tpu.memory_space<vmem>>
    %dma_wait3A_253 = arith.constant 0 : i32
    %dma_wait3A_254 = tpu.memref_slice %arg12[%dma_wait3A_247, %dma_wait3A_253] : memref<4x128xi32, #tpu.memory_space<vmem>> -> memref<1x128xi32, #tpu.memory_space<vmem>>
    %dma_wait3A_255 = tpu.memref_squeeze %dma_wait3A_254 : memref<1x128xi32, #tpu.memory_space<vmem>> -> memref<128xi32, #tpu.memory_space<vmem>>
    %dma_wait3A_256 = arith.constant 0 : i32
    %dma_wait3A_257 = arith.constant 0 : i32
    %dma_wait3A_258 = tpu.memref_slice %arg6[%dma_wait3A_256, %dma_wait3A_257] : memref<100000x128xf32, #tpu.memory_space<hbm>> -> memref<100000x128xf32, #tpu.memory_space<hbm>>
    tpu.wait_indirect_dma semaphore(%arg20 : memref<!tpu.dma_semaphore, #tpu.memory_space<semaphore_mem>>) src(%dma_wait3A_258 : memref<100000x128xf32, #tpu.memory_space<hbm>>) dst(%dma_wait3A_252 : memref<128x128xf32, #tpu.memory_space<vmem>>)
    %scan3A_259 = arith.constant 0 : i32
    %scan3A_260 = arith.constant 128 : i32
    %scan3A_261 = arith.addi %scan3A_259, %scan3A_260 : i32
    %scan3A_262 = arith.constant 1 : i32
    %scan3A_263 = scf.for %scan3A_378 = %scan3A_259 to %scan3A_261 step %scan3A_262 iter_args(%scan3A_379 = %scan3A_209) -> (vector<16xf32>)  : i32 {
      %get3A = arith.constant 0 : i32
      %get3A_380 = arith.index_cast %get3A : i32 to index
      %get3A_381 = arith.index_cast %scan3A_378 : i32 to index
      %get3A_382 = arith.constant 0 : index
      %get3A_383 = tpu.vector_load %arg13[%get3A_380, %get3A_381, %get3A_382] {strides = array<i32>} : memref<2x128x128xf32, #tpu.memory_space<vmem>>, vector<1x1x16xf32>,
      %get3A_384 = vector.shape_cast %get3A_383 : vector<1x1x16xf32> to vector<16xf32>
      %get3A_385 = arith.constant 0 : i32
      %get3A_386 = arith.index_cast %get3A_385 : i32 to index
      %get3A_387 = arith.index_cast %scan3A_378 : i32 to index
      %get3A_388 = arith.constant 0 : index
      %get3A_389 = tpu.vector_load %arg14[%get3A_386, %get3A_387, %get3A_388] {strides = array<i32>} : memref<2x128x128xf32, #tpu.memory_space<vmem>>, vector<1x1x16xf32>,
      %get3A_390 = vector.shape_cast %get3A_389 : vector<1x1x16xf32> to vector<16xf32>
      %mul3A_391 = arith.mulf %get3A_384, %get3A_390 : vector<16xf32>
      %add3A_392 = arith.addf %scan3A_379, %mul3A_391 : vector<16xf32>
      %get3A_393 = arith.constant 0 : i32
      %get3A_394 = arith.index_cast %get3A_393 : i32 to index
      %get3A_395 = arith.index_cast %scan3A_378 : i32 to index
      %get3A_396 = arith.constant 16 : index
      %get3A_397 = tpu.vector_load %arg13[%get3A_394, %get3A_395, %get3A_396] {strides = array<i32>} : memref<2x128x128xf32, #tpu.memory_space<vmem>>, vector<1x1x16xf32>,
      %get3A_398 = vector.shape_cast %get3A_397 : vector<1x1x16xf32> to vector<16xf32>
      %get3A_399 = arith.constant 0 : i32
      %get3A_400 = arith.index_cast %get3A_399 : i32 to index
      %get3A_401 = arith.index_cast %scan3A_378 : i32 to index
      %get3A_402 = arith.constant 16 : index
      %get3A_403 = tpu.vector_load %arg14[%get3A_400, %get3A_401, %get3A_402] {strides = array<i32>} : memref<2x128x128xf32, #tpu.memory_space<vmem>>, vector<1x1x16xf32>,
      %get3A_404 = vector.shape_cast %get3A_403 : vector<1x1x16xf32> to vector<16xf32>
      %mul3A_405 = arith.mulf %get3A_398, %get3A_404 : vector<16xf32>
      %add3A_406 = arith.addf %add3A_392, %mul3A_405 : vector<16xf32>
      %get3A_407 = arith.constant 0 : i32
      %get3A_408 = arith.index_cast %get3A_407 : i32 to index
      %get3A_409 = arith.index_cast %scan3A_378 : i32 to index
      %get3A_410 = arith.constant 32 : index
      %get3A_411 = tpu.vector_load %arg13[%get3A_408, %get3A_409, %get3A_410] {strides = array<i32>} : memref<2x128x128xf32, #tpu.memory_space<vmem>>, vector<1x1x16xf32>,
      %get3A_412 = vector.shape_cast %get3A_411 : vector<1x1x16xf32> to vector<16xf32>
      %get3A_413 = arith.constant 0 : i32
      %get3A_414 = arith.index_cast %get3A_413 : i32 to index
      %get3A_415 = arith.index_cast %scan3A_378 : i32 to index
      %get3A_416 = arith.constant 32 : index
      %get3A_417 = tpu.vector_load %arg14[%get3A_414, %get3A_415, %get3A_416] {strides = array<i32>} : memref<2x128x128xf32, #tpu.memory_space<vmem>>, vector<1x1x16xf32>,
      %get3A_418 = vector.shape_cast %get3A_417 : vector<1x1x16xf32> to vector<16xf32>
      %mul3A_419 = arith.mulf %get3A_412, %get3A_418 : vector<16xf32>
      %add3A_420 = arith.addf %add3A_406, %mul3A_419 : vector<16xf32>
      %get3A_421 = arith.constant 0 : i32
      %get3A_422 = arith.index_cast %get3A_421 : i32 to index
      %get3A_423 = arith.index_cast %scan3A_378 : i32 to index
      %get3A_424 = arith.constant 48 : index
      %get3A_425 = tpu.vector_load %arg13[%get3A_422, %get3A_423, %get3A_424] {strides = array<i32>} : memref<2x128x128xf32, #tpu.memory_space<vmem>>, vector<1x1x16xf32>,
      %get3A_426 = vector.shape_cast %get3A_425 : vector<1x1x16xf32> to vector<16xf32>
      %get3A_427 = arith.constant 0 : i32
      %get3A_428 = arith.index_cast %get3A_427 : i32 to index
      %get3A_429 = arith.index_cast %scan3A_378 : i32 to index
      %get3A_430 = arith.constant 48 : index
      %get3A_431 = tpu.vector_load %arg14[%get3A_428, %get3A_429, %get3A_430] {strides = array<i32>} : memref<2x128x128xf32, #tpu.memory_space<vmem>>, vector<1x1x16xf32>,
      %get3A_432 = vector.shape_cast %get3A_431 : vector<1x1x16xf32> to vector<16xf32>
      %mul3A_433 = arith.mulf %get3A_426, %get3A_432 : vector<16xf32>
      %add3A_434 = arith.addf %add3A_420, %mul3A_433 : vector<16xf32>
      %get3A_435 = arith.constant 0 : i32
      %get3A_436 = arith.index_cast %get3A_435 : i32 to index
      %get3A_437 = arith.index_cast %scan3A_378 : i32 to index
      %get3A_438 = arith.constant 64 : index
      %get3A_439 = tpu.vector_load %arg13[%get3A_436, %get3A_437, %get3A_438] {strides = array<i32>} : memref<2x128x128xf32, #tpu.memory_space<vmem>>, vector<1x1x16xf32>,
      %get3A_440 = vector.shape_cast %get3A_439 : vector<1x1x16xf32> to vector<16xf32>
      %get3A_441 = arith.constant 0 : i32
      %get3A_442 = arith.index_cast %get3A_441 : i32 to index
      %get3A_443 = arith.index_cast %scan3A_378 : i32 to index
      %get3A_444 = arith.constant 64 : index
      %get3A_445 = tpu.vector_load %arg14[%get3A_442, %get3A_443, %get3A_444] {strides = array<i32>} : memref<2x128x128xf32, #tpu.memory_space<vmem>>, vector<1x1x16xf32>,
      %get3A_446 = vector.shape_cast %get3A_445 : vector<1x1x16xf32> to vector<16xf32>
      %mul3A_447 = arith.mulf %get3A_440, %get3A_446 : vector<16xf32>
      %add3A_448 = arith.addf %add3A_434, %mul3A_447 : vector<16xf32>
      %get3A_449 = arith.constant 0 : i32
      %get3A_450 = arith.index_cast %get3A_449 : i32 to index
      %get3A_451 = arith.index_cast %scan3A_378 : i32 to index
      %get3A_452 = arith.constant 80 : index
      %get3A_453 = tpu.vector_load %arg13[%get3A_450, %get3A_451, %get3A_452] {strides = array<i32>} : memref<2x128x128xf32, #tpu.memory_space<vmem>>, vector<1x1x16xf32>,
      %get3A_454 = vector.shape_cast %get3A_453 : vector<1x1x16xf32> to vector<16xf32>
      %get3A_455 = arith.constant 0 : i32
      %get3A_456 = arith.index_cast %get3A_455 : i32 to index
      %get3A_457 = arith.index_cast %scan3A_378 : i32 to index
      %get3A_458 = arith.constant 80 : index
      %get3A_459 = tpu.vector_load %arg14[%get3A_456, %get3A_457, %get3A_458] {strides = array<i32>} : memref<2x128x128xf32, #tpu.memory_space<vmem>>, vector<1x1x16xf32>,
      %get3A_460 = vector.shape_cast %get3A_459 : vector<1x1x16xf32> to vector<16xf32>
      %mul3A_461 = arith.mulf %get3A_454, %get3A_460 : vector<16xf32>
      %add3A_462 = arith.addf %add3A_448, %mul3A_461 : vector<16xf32>
      %get3A_463 = arith.constant 0 : i32
      %get3A_464 = arith.index_cast %get3A_463 : i32 to index
      %get3A_465 = arith.index_cast %scan3A_378 : i32 to index
      %get3A_466 = arith.constant 96 : index
      %get3A_467 = tpu.vector_load %arg13[%get3A_464, %get3A_465, %get3A_466] {strides = array<i32>} : memref<2x128x128xf32, #tpu.memory_space<vmem>>, vector<1x1x16xf32>,
      %get3A_468 = vector.shape_cast %get3A_467 : vector<1x1x16xf32> to vector<16xf32>
      %get3A_469 = arith.constant 0 : i32
      %get3A_470 = arith.index_cast %get3A_469 : i32 to index
      %get3A_471 = arith.index_cast %scan3A_378 : i32 to index
      %get3A_472 = arith.constant 96 : index
      %get3A_473 = tpu.vector_load %arg14[%get3A_470, %get3A_471, %get3A_472] {strides = array<i32>} : memref<2x128x128xf32, #tpu.memory_space<vmem>>, vector<1x1x16xf32>,
      %get3A_474 = vector.shape_cast %get3A_473 : vector<1x1x16xf32> to vector<16xf32>
      %mul3A_475 = arith.mulf %get3A_468, %get3A_474 : vector<16xf32>
      %add3A_476 = arith.addf %add3A_462, %mul3A_475 : vector<16xf32>
      %get3A_477 = arith.constant 0 : i32
      %get3A_478 = arith.index_cast %get3A_477 : i32 to index
      %get3A_479 = arith.index_cast %scan3A_378 : i32 to index
      %get3A_480 = arith.constant 112 : index
      %get3A_481 = tpu.vector_load %arg13[%get3A_478, %get3A_479, %get3A_480] {strides = array<i32>} : memref<2x128x128xf32, #tpu.memory_space<vmem>>, vector<1x1x16xf32>,
      %get3A_482 = vector.shape_cast %get3A_481 : vector<1x1x16xf32> to vector<16xf32>
      %get3A_483 = arith.constant 0 : i32
      %get3A_484 = arith.index_cast %get3A_483 : i32 to index
      %get3A_485 = arith.index_cast %scan3A_378 : i32 to index
      %get3A_486 = arith.constant 112 : index
      %get3A_487 = tpu.vector_load %arg14[%get3A_484, %get3A_485, %get3A_486] {strides = array<i32>} : memref<2x128x128xf32, #tpu.memory_space<vmem>>, vector<1x1x16xf32>,
      %get3A_488 = vector.shape_cast %get3A_487 : vector<1x1x16xf32> to vector<16xf32>
      %mul3A_489 = arith.mulf %get3A_482, %get3A_488 : vector<16xf32>
      %add3A_490 = arith.addf %add3A_476, %mul3A_489 : vector<16xf32>
      scf.yield %add3A_490 : vector<16xf32>
    }
    %scan3A_264 = arith.constant 128 : i32
    %dma_wait3A_265 = arith.constant 3 : i32
    %dma_wait3A_266 = arith.constant 1 : i32
    %dma_wait3A_267 = arith.constant 0 : i32
    %dma_wait3A_268 = arith.constant 0 : i32
    %dma_wait3A_269 = tpu.memref_slice %arg13[%dma_wait3A_266, %dma_wait3A_267, %dma_wait3A_268] : memref<2x128x128xf32, #tpu.memory_space<vmem>> -> memref<1x128x128xf32, #tpu.memory_space<vmem>>
    %dma_wait3A_270 = tpu.memref_squeeze %dma_wait3A_269 : memref<1x128x128xf32, #tpu.memory_space<vmem>> -> memref<128x128xf32, #tpu.memory_space<vmem>>
    %dma_wait3A_271 = arith.constant 0 : i32
    %dma_wait3A_272 = tpu.memref_slice %arg11[%dma_wait3A_265, %dma_wait3A_271] : memref<4x128xi32, #tpu.memory_space<vmem>> -> memref<1x128xi32, #tpu.memory_space<vmem>>
    %dma_wait3A_273 = tpu.memref_squeeze %dma_wait3A_272 : memref<1x128xi32, #tpu.memory_space<vmem>> -> memref<128xi32, #tpu.memory_space<vmem>>
    %dma_wait3A_274 = arith.constant 0 : i32
    %dma_wait3A_275 = arith.constant 0 : i32
    %dma_wait3A_276 = tpu.memref_slice %arg4[%dma_wait3A_274, %dma_wait3A_275] : memref<100000x128xf32, #tpu.memory_space<hbm>> -> memref<100000x128xf32, #tpu.memory_space<hbm>>
    tpu.wait_indirect_dma semaphore(%arg19 : memref<!tpu.dma_semaphore, #tpu.memory_space<semaphore_mem>>) src(%dma_wait3A_276 : memref<100000x128xf32, #tpu.memory_space<hbm>>) dst(%dma_wait3A_270 : memref<128x128xf32, #tpu.memory_space<vmem>>)
    %dma_wait3A_277 = arith.constant 3 : i32
    %dma_wait3A_278 = arith.constant 1 : i32
    %dma_wait3A_279 = arith.constant 0 : i32
    %dma_wait3A_280 = arith.constant 0 : i32
    %dma_wait3A_281 = tpu.memref_slice %arg14[%dma_wait3A_278, %dma_wait3A_279, %dma_wait3A_280] : memref<2x128x128xf32, #tpu.memory_space<vmem>> -> memref<1x128x128xf32, #tpu.memory_space<vmem>>
    %dma_wait3A_282 = tpu.memref_squeeze %dma_wait3A_281 : memref<1x128x128xf32, #tpu.memory_space<vmem>> -> memref<128x128xf32, #tpu.memory_space<vmem>>
    %dma_wait3A_283 = arith.constant 0 : i32
    %dma_wait3A_284 = tpu.memref_slice %arg12[%dma_wait3A_277, %dma_wait3A_283] : memref<4x128xi32, #tpu.memory_space<vmem>> -> memref<1x128xi32, #tpu.memory_space<vmem>>
    %dma_wait3A_285 = tpu.memref_squeeze %dma_wait3A_284 : memref<1x128xi32, #tpu.memory_space<vmem>> -> memref<128xi32, #tpu.memory_space<vmem>>
    %dma_wait3A_286 = arith.constant 0 : i32
    %dma_wait3A_287 = arith.constant 0 : i32
    %dma_wait3A_288 = tpu.memref_slice %arg6[%dma_wait3A_286, %dma_wait3A_287] : memref<100000x128xf32, #tpu.memory_space<hbm>> -> memref<100000x128xf32, #tpu.memory_space<hbm>>
    tpu.wait_indirect_dma semaphore(%arg21 : memref<!tpu.dma_semaphore, #tpu.memory_space<semaphore_mem>>) src(%dma_wait3A_288 : memref<100000x128xf32, #tpu.memory_space<hbm>>) dst(%dma_wait3A_282 : memref<128x128xf32, #tpu.memory_space<vmem>>)
    %scan3A_289 = arith.constant 0 : i32
    %scan3A_290 = arith.constant 128 : i32
    %scan3A_291 = arith.addi %scan3A_289, %scan3A_290 : i32
    %scan3A_292 = arith.constant 1 : i32
    %scan3A_293 = scf.for %scan3A_378 = %scan3A_289 to %scan3A_291 step %scan3A_292 iter_args(%scan3A_379 = %scan3A_263) -> (vector<16xf32>)  : i32 {
      %get3A = arith.constant 1 : i32
      %get3A_380 = arith.index_cast %get3A : i32 to index
      %get3A_381 = arith.index_cast %scan3A_378 : i32 to index
      %get3A_382 = arith.constant 0 : index
      %get3A_383 = tpu.vector_load %arg13[%get3A_380, %get3A_381, %get3A_382] {strides = array<i32>} : memref<2x128x128xf32, #tpu.memory_space<vmem>>, vector<1x1x16xf32>,
      %get3A_384 = vector.shape_cast %get3A_383 : vector<1x1x16xf32> to vector<16xf32>
      %get3A_385 = arith.constant 1 : i32
      %get3A_386 = arith.index_cast %get3A_385 : i32 to index
      %get3A_387 = arith.index_cast %scan3A_378 : i32 to index
      %get3A_388 = arith.constant 0 : index
      %get3A_389 = tpu.vector_load %arg14[%get3A_386, %get3A_387, %get3A_388] {strides = array<i32>} : memref<2x128x128xf32, #tpu.memory_space<vmem>>, vector<1x1x16xf32>,
      %get3A_390 = vector.shape_cast %get3A_389 : vector<1x1x16xf32> to vector<16xf32>
      %mul3A_391 = arith.mulf %get3A_384, %get3A_390 : vector<16xf32>
      %add3A_392 = arith.addf %scan3A_379, %mul3A_391 : vector<16xf32>
      %get3A_393 = arith.constant 1 : i32
      %get3A_394 = arith.index_cast %get3A_393 : i32 to index
      %get3A_395 = arith.index_cast %scan3A_378 : i32 to index
      %get3A_396 = arith.constant 16 : index
      %get3A_397 = tpu.vector_load %arg13[%get3A_394, %get3A_395, %get3A_396] {strides = array<i32>} : memref<2x128x128xf32, #tpu.memory_space<vmem>>, vector<1x1x16xf32>,
      %get3A_398 = vector.shape_cast %get3A_397 : vector<1x1x16xf32> to vector<16xf32>
      %get3A_399 = arith.constant 1 : i32
      %get3A_400 = arith.index_cast %get3A_399 : i32 to index
      %get3A_401 = arith.index_cast %scan3A_378 : i32 to index
      %get3A_402 = arith.constant 16 : index
      %get3A_403 = tpu.vector_load %arg14[%get3A_400, %get3A_401, %get3A_402] {strides = array<i32>} : memref<2x128x128xf32, #tpu.memory_space<vmem>>, vector<1x1x16xf32>,
      %get3A_404 = vector.shape_cast %get3A_403 : vector<1x1x16xf32> to vector<16xf32>
      %mul3A_405 = arith.mulf %get3A_398, %get3A_404 : vector<16xf32>
      %add3A_406 = arith.addf %add3A_392, %mul3A_405 : vector<16xf32>
      %get3A_407 = arith.constant 1 : i32
      %get3A_408 = arith.index_cast %get3A_407 : i32 to index
      %get3A_409 = arith.index_cast %scan3A_378 : i32 to index
      %get3A_410 = arith.constant 32 : index
      %get3A_411 = tpu.vector_load %arg13[%get3A_408, %get3A_409, %get3A_410] {strides = array<i32>} : memref<2x128x128xf32, #tpu.memory_space<vmem>>, vector<1x1x16xf32>,
      %get3A_412 = vector.shape_cast %get3A_411 : vector<1x1x16xf32> to vector<16xf32>
      %get3A_413 = arith.constant 1 : i32
      %get3A_414 = arith.index_cast %get3A_413 : i32 to index
      %get3A_415 = arith.index_cast %scan3A_378 : i32 to index
      %get3A_416 = arith.constant 32 : index
      %get3A_417 = tpu.vector_load %arg14[%get3A_414, %get3A_415, %get3A_416] {strides = array<i32>} : memref<2x128x128xf32, #tpu.memory_space<vmem>>, vector<1x1x16xf32>,
      %get3A_418 = vector.shape_cast %get3A_417 : vector<1x1x16xf32> to vector<16xf32>
      %mul3A_419 = arith.mulf %get3A_412, %get3A_418 : vector<16xf32>
      %add3A_420 = arith.addf %add3A_406, %mul3A_419 : vector<16xf32>
      %get3A_421 = arith.constant 1 : i32
      %get3A_422 = arith.index_cast %get3A_421 : i32 to index
      %get3A_423 = arith.index_cast %scan3A_378 : i32 to index
      %get3A_424 = arith.constant 48 : index
      %get3A_425 = tpu.vector_load %arg13[%get3A_422, %get3A_423, %get3A_424] {strides = array<i32>} : memref<2x128x128xf32, #tpu.memory_space<vmem>>, vector<1x1x16xf32>,
      %get3A_426 = vector.shape_cast %get3A_425 : vector<1x1x16xf32> to vector<16xf32>
      %get3A_427 = arith.constant 1 : i32
      %get3A_428 = arith.index_cast %get3A_427 : i32 to index
      %get3A_429 = arith.index_cast %scan3A_378 : i32 to index
      %get3A_430 = arith.constant 48 : index
      %get3A_431 = tpu.vector_load %arg14[%get3A_428, %get3A_429, %get3A_430] {strides = array<i32>} : memref<2x128x128xf32, #tpu.memory_space<vmem>>, vector<1x1x16xf32>,
      %get3A_432 = vector.shape_cast %get3A_431 : vector<1x1x16xf32> to vector<16xf32>
      %mul3A_433 = arith.mulf %get3A_426, %get3A_432 : vector<16xf32>
      %add3A_434 = arith.addf %add3A_420, %mul3A_433 : vector<16xf32>
      %get3A_435 = arith.constant 1 : i32
      %get3A_436 = arith.index_cast %get3A_435 : i32 to index
      %get3A_437 = arith.index_cast %scan3A_378 : i32 to index
      %get3A_438 = arith.constant 64 : index
      %get3A_439 = tpu.vector_load %arg13[%get3A_436, %get3A_437, %get3A_438] {strides = array<i32>} : memref<2x128x128xf32, #tpu.memory_space<vmem>>, vector<1x1x16xf32>,
      %get3A_440 = vector.shape_cast %get3A_439 : vector<1x1x16xf32> to vector<16xf32>
      %get3A_441 = arith.constant 1 : i32
      %get3A_442 = arith.index_cast %get3A_441 : i32 to index
      %get3A_443 = arith.index_cast %scan3A_378 : i32 to index
      %get3A_444 = arith.constant 64 : index
      %get3A_445 = tpu.vector_load %arg14[%get3A_442, %get3A_443, %get3A_444] {strides = array<i32>} : memref<2x128x128xf32, #tpu.memory_space<vmem>>, vector<1x1x16xf32>,
      %get3A_446 = vector.shape_cast %get3A_445 : vector<1x1x16xf32> to vector<16xf32>
      %mul3A_447 = arith.mulf %get3A_440, %get3A_446 : vector<16xf32>
      %add3A_448 = arith.addf %add3A_434, %mul3A_447 : vector<16xf32>
      %get3A_449 = arith.constant 1 : i32
      %get3A_450 = arith.index_cast %get3A_449 : i32 to index
      %get3A_451 = arith.index_cast %scan3A_378 : i32 to index
      %get3A_452 = arith.constant 80 : index
      %get3A_453 = tpu.vector_load %arg13[%get3A_450, %get3A_451, %get3A_452] {strides = array<i32>} : memref<2x128x128xf32, #tpu.memory_space<vmem>>, vector<1x1x16xf32>,
      %get3A_454 = vector.shape_cast %get3A_453 : vector<1x1x16xf32> to vector<16xf32>
      %get3A_455 = arith.constant 1 : i32
      %get3A_456 = arith.index_cast %get3A_455 : i32 to index
      %get3A_457 = arith.index_cast %scan3A_378 : i32 to index
      %get3A_458 = arith.constant 80 : index
      %get3A_459 = tpu.vector_load %arg14[%get3A_456, %get3A_457, %get3A_458] {strides = array<i32>} : memref<2x128x128xf32, #tpu.memory_space<vmem>>, vector<1x1x16xf32>,
      %get3A_460 = vector.shape_cast %get3A_459 : vector<1x1x16xf32> to vector<16xf32>
      %mul3A_461 = arith.mulf %get3A_454, %get3A_460 : vector<16xf32>
      %add3A_462 = arith.addf %add3A_448, %mul3A_461 : vector<16xf32>
      %get3A_463 = arith.constant 1 : i32
      %get3A_464 = arith.index_cast %get3A_463 : i32 to index
      %get3A_465 = arith.index_cast %scan3A_378 : i32 to index
      %get3A_466 = arith.constant 96 : index
      %get3A_467 = tpu.vector_load %arg13[%get3A_464, %get3A_465, %get3A_466] {strides = array<i32>} : memref<2x128x128xf32, #tpu.memory_space<vmem>>, vector<1x1x16xf32>,
      %get3A_468 = vector.shape_cast %get3A_467 : vector<1x1x16xf32> to vector<16xf32>
      %get3A_469 = arith.constant 1 : i32
      %get3A_470 = arith.index_cast %get3A_469 : i32 to index
      %get3A_471 = arith.index_cast %scan3A_378 : i32 to index
      %get3A_472 = arith.constant 96 : index
      %get3A_473 = tpu.vector_load %arg14[%get3A_470, %get3A_471, %get3A_472] {strides = array<i32>} : memref<2x128x128xf32, #tpu.memory_space<vmem>>, vector<1x1x16xf32>,
      %get3A_474 = vector.shape_cast %get3A_473 : vector<1x1x16xf32> to vector<16xf32>
      %mul3A_475 = arith.mulf %get3A_468, %get3A_474 : vector<16xf32>
      %add3A_476 = arith.addf %add3A_462, %mul3A_475 : vector<16xf32>
      %get3A_477 = arith.constant 1 : i32
      %get3A_478 = arith.index_cast %get3A_477 : i32 to index
      %get3A_479 = arith.index_cast %scan3A_378 : i32 to index
      %get3A_480 = arith.constant 112 : index
      %get3A_481 = tpu.vector_load %arg13[%get3A_478, %get3A_479, %get3A_480] {strides = array<i32>} : memref<2x128x128xf32, #tpu.memory_space<vmem>>, vector<1x1x16xf32>,
      %get3A_482 = vector.shape_cast %get3A_481 : vector<1x1x16xf32> to vector<16xf32>
      %get3A_483 = arith.constant 1 : i32
      %get3A_484 = arith.index_cast %get3A_483 : i32 to index
      %get3A_485 = arith.index_cast %scan3A_378 : i32 to index
      %get3A_486 = arith.constant 112 : index
      %get3A_487 = tpu.vector_load %arg14[%get3A_484, %get3A_485, %get3A_486] {strides = array<i32>} : memref<2x128x128xf32, #tpu.memory_space<vmem>>, vector<1x1x16xf32>,
      %get3A_488 = vector.shape_cast %get3A_487 : vector<1x1x16xf32> to vector<16xf32>
      %mul3A_489 = arith.mulf %get3A_482, %get3A_488 : vector<16xf32>
      %add3A_490 = arith.addf %add3A_476, %mul3A_489 : vector<16xf32>
      scf.yield %add3A_490 : vector<16xf32>
    }
    %scan3A_294 = arith.constant 128 : i32
    %swap3A = arith.constant 0 : index
    %swap3A_295 = tpu.vector_load %arg17[%swap3A] {strides = array<i32>} : memref<16xf32, #tpu.memory_space<vmem>>, vector<16xf32>,
    %swap3A_296 = vector.shape_cast %swap3A_295 : vector<16xf32> to vector<16xf32>
    %swap3A_297 = vector.shape_cast %scan3A_293 : vector<16xf32> to vector<16xf32>
    tpu.vector_store %arg17[%swap3A], %swap3A_297 {strides = array<i32>} : memref<16xf32, #tpu.memory_space<vmem>>, vector<16xf32>,
    "tpu.region"() ({
      %run_scoped3A = tpu.sem_alloc : memref<!tpu.dma_semaphore, #tpu.memory_space<semaphore_mem>>
      %dma_start3A_378 = arith.constant 0 : i32
      %dma_start3A_379 = tpu.memref_slice %arg8[%add3A, %dma_start3A_378] : memref<32x16xf32, #tpu.memory_space<hbm>> -> memref<1x16xf32, #tpu.memory_space<hbm>>
      %dma_start3A_380 = tpu.memref_squeeze %dma_start3A_379 : memref<1x16xf32, #tpu.memory_space<hbm>> -> memref<16xf32, #tpu.memory_space<hbm>>
      %dma_start3A_381 = arith.constant 0 : i32
      %dma_start3A_382 = tpu.memref_slice %arg8[%add3A, %dma_start3A_381] : memref<32x16xf32, #tpu.memory_space<hbm>> -> memref<1x16xf32, #tpu.memory_space<hbm>>
      %dma_start3A_383 = tpu.memref_squeeze %dma_start3A_382 : memref<1x16xf32, #tpu.memory_space<hbm>> -> memref<16xf32, #tpu.memory_space<hbm>>
      tpu.enqueue_dma source(%arg17 : memref<16xf32, #tpu.memory_space<vmem>>) target(%dma_start3A_383 : memref<16xf32, #tpu.memory_space<hbm>>) target_semaphore(%run_scoped3A : memref<!tpu.dma_semaphore, #tpu.memory_space<semaphore_mem>>)
      %dma_wait3A_384 = arith.constant 0 : i32
      %dma_wait3A_385 = tpu.memref_slice %arg8[%add3A, %dma_wait3A_384] : memref<32x16xf32, #tpu.memory_space<hbm>> -> memref<1x16xf32, #tpu.memory_space<hbm>>
      %dma_wait3A_386 = tpu.memref_squeeze %dma_wait3A_385 : memref<1x16xf32, #tpu.memory_space<hbm>> -> memref<16xf32, #tpu.memory_space<hbm>>
      %dma_wait3A_387 = arith.constant 0 : i32
      %dma_wait3A_388 = tpu.memref_slice %arg8[%add3A, %dma_wait3A_387] : memref<32x16xf32, #tpu.memory_space<hbm>> -> memref<1x16xf32, #tpu.memory_space<hbm>>
      %dma_wait3A_389 = tpu.memref_squeeze %dma_wait3A_388 : memref<1x16xf32, #tpu.memory_space<hbm>> -> memref<16xf32, #tpu.memory_space<hbm>>
      tpu.wait_dma2 semaphore(%run_scoped3A : memref<!tpu.dma_semaphore, #tpu.memory_space<semaphore_mem>>) src(%arg17 : memref<16xf32, #tpu.memory_space<vmem>>) dst(%dma_wait3A_389 : memref<16xf32, #tpu.memory_space<hbm>>)
      tpu.yield
    }) : () -> ()
    %dma_wait3A_298 = arith.constant 0 : i32
    %dma_wait3A_299 = arith.constant 0 : i32
    %dma_wait3A_300 = arith.constant 0 : i32
    %dma_wait3A_301 = tpu.memref_slice %arg15[%dma_wait3A_299, %dma_wait3A_300] : memref<4x128xf32, #tpu.memory_space<vmem>> -> memref<1x128xf32, #tpu.memory_space<vmem>>
    %dma_wait3A_302 = tpu.memref_squeeze %dma_wait3A_301 : memref<1x128xf32, #tpu.memory_space<vmem>> -> memref<128xf32, #tpu.memory_space<vmem>>
    %dma_wait3A_303 = arith.constant 0 : i32
    %dma_wait3A_304 = tpu.memref_slice %arg11[%dma_wait3A_298, %dma_wait3A_303] : memref<4x128xi32, #tpu.memory_space<vmem>> -> memref<1x128xi32, #tpu.memory_space<vmem>>
    %dma_wait3A_305 = tpu.memref_squeeze %dma_wait3A_304 : memref<1x128xi32, #tpu.memory_space<vmem>> -> memref<128xi32, #tpu.memory_space<vmem>>
    %dma_wait3A_306 = arith.constant 0 : i32
    %dma_wait3A_307 = tpu.memref_slice %arg5[%dma_wait3A_306] : memref<100000xf32, #tpu.memory_space<hbm>> -> memref<100000xf32, #tpu.memory_space<hbm>>
    tpu.wait_indirect_dma semaphore(%arg22 : memref<!tpu.dma_semaphore, #tpu.memory_space<semaphore_mem>>) src(%dma_wait3A_307 : memref<100000xf32, #tpu.memory_space<hbm>>) dst(%dma_wait3A_302 : memref<128xf32, #tpu.memory_space<vmem>>)
    %dma_wait3A_308 = arith.constant 1 : i32
    %dma_wait3A_309 = arith.constant 1 : i32
    %dma_wait3A_310 = arith.constant 0 : i32
    %dma_wait3A_311 = tpu.memref_slice %arg15[%dma_wait3A_309, %dma_wait3A_310] : memref<4x128xf32, #tpu.memory_space<vmem>> -> memref<1x128xf32, #tpu.memory_space<vmem>>
    %dma_wait3A_312 = tpu.memref_squeeze %dma_wait3A_311 : memref<1x128xf32, #tpu.memory_space<vmem>> -> memref<128xf32, #tpu.memory_space<vmem>>
    %dma_wait3A_313 = arith.constant 0 : i32
    %dma_wait3A_314 = tpu.memref_slice %arg11[%dma_wait3A_308, %dma_wait3A_313] : memref<4x128xi32, #tpu.memory_space<vmem>> -> memref<1x128xi32, #tpu.memory_space<vmem>>
    %dma_wait3A_315 = tpu.memref_squeeze %dma_wait3A_314 : memref<1x128xi32, #tpu.memory_space<vmem>> -> memref<128xi32, #tpu.memory_space<vmem>>
    %dma_wait3A_316 = arith.constant 0 : i32
    %dma_wait3A_317 = tpu.memref_slice %arg5[%dma_wait3A_316] : memref<100000xf32, #tpu.memory_space<hbm>> -> memref<100000xf32, #tpu.memory_space<hbm>>
    tpu.wait_indirect_dma semaphore(%arg22 : memref<!tpu.dma_semaphore, #tpu.memory_space<semaphore_mem>>) src(%dma_wait3A_317 : memref<100000xf32, #tpu.memory_space<hbm>>) dst(%dma_wait3A_312 : memref<128xf32, #tpu.memory_space<vmem>>)
    %dma_wait3A_318 = arith.constant 2 : i32
    %dma_wait3A_319 = arith.constant 2 : i32
    %dma_wait3A_320 = arith.constant 0 : i32
    %dma_wait3A_321 = tpu.memref_slice %arg15[%dma_wait3A_319, %dma_wait3A_320] : memref<4x128xf32, #tpu.memory_space<vmem>> -> memref<1x128xf32, #tpu.memory_space<vmem>>
    %dma_wait3A_322 = tpu.memref_squeeze %dma_wait3A_321 : memref<1x128xf32, #tpu.memory_space<vmem>> -> memref<128xf32, #tpu.memory_space<vmem>>
    %dma_wait3A_323 = arith.constant 0 : i32
    %dma_wait3A_324 = tpu.memref_slice %arg11[%dma_wait3A_318, %dma_wait3A_323] : memref<4x128xi32, #tpu.memory_space<vmem>> -> memref<1x128xi32, #tpu.memory_space<vmem>>
    %dma_wait3A_325 = tpu.memref_squeeze %dma_wait3A_324 : memref<1x128xi32, #tpu.memory_space<vmem>> -> memref<128xi32, #tpu.memory_space<vmem>>
    %dma_wait3A_326 = arith.constant 0 : i32
    %dma_wait3A_327 = tpu.memref_slice %arg5[%dma_wait3A_326] : memref<100000xf32, #tpu.memory_space<hbm>> -> memref<100000xf32, #tpu.memory_space<hbm>>
    tpu.wait_indirect_dma semaphore(%arg22 : memref<!tpu.dma_semaphore, #tpu.memory_space<semaphore_mem>>) src(%dma_wait3A_327 : memref<100000xf32, #tpu.memory_space<hbm>>) dst(%dma_wait3A_322 : memref<128xf32, #tpu.memory_space<vmem>>)
    %dma_wait3A_328 = arith.constant 3 : i32
    %dma_wait3A_329 = arith.constant 3 : i32
    %dma_wait3A_330 = arith.constant 0 : i32
    %dma_wait3A_331 = tpu.memref_slice %arg15[%dma_wait3A_329, %dma_wait3A_330] : memref<4x128xf32, #tpu.memory_space<vmem>> -> memref<1x128xf32, #tpu.memory_space<vmem>>
    %dma_wait3A_332 = tpu.memref_squeeze %dma_wait3A_331 : memref<1x128xf32, #tpu.memory_space<vmem>> -> memref<128xf32, #tpu.memory_space<vmem>>
    %dma_wait3A_333 = arith.constant 0 : i32
    %dma_wait3A_334 = tpu.memref_slice %arg11[%dma_wait3A_328, %dma_wait3A_333] : memref<4x128xi32, #tpu.memory_space<vmem>> -> memref<1x128xi32, #tpu.memory_space<vmem>>
    %dma_wait3A_335 = tpu.memref_squeeze %dma_wait3A_334 : memref<1x128xi32, #tpu.memory_space<vmem>> -> memref<128xi32, #tpu.memory_space<vmem>>
    %dma_wait3A_336 = arith.constant 0 : i32
    %dma_wait3A_337 = tpu.memref_slice %arg5[%dma_wait3A_336] : memref<100000xf32, #tpu.memory_space<hbm>> -> memref<100000xf32, #tpu.memory_space<hbm>>
    tpu.wait_indirect_dma semaphore(%arg22 : memref<!tpu.dma_semaphore, #tpu.memory_space<semaphore_mem>>) src(%dma_wait3A_337 : memref<100000xf32, #tpu.memory_space<hbm>>) dst(%dma_wait3A_332 : memref<128xf32, #tpu.memory_space<vmem>>)
    %dma_wait3A_338 = arith.constant 0 : i32
    %dma_wait3A_339 = arith.constant 0 : i32
    %dma_wait3A_340 = arith.constant 0 : i32
    %dma_wait3A_341 = tpu.memref_slice %arg16[%dma_wait3A_339, %dma_wait3A_340] : memref<4x128xf32, #tpu.memory_space<vmem>> -> memref<1x128xf32, #tpu.memory_space<vmem>>
    %dma_wait3A_342 = tpu.memref_squeeze %dma_wait3A_341 : memref<1x128xf32, #tpu.memory_space<vmem>> -> memref<128xf32, #tpu.memory_space<vmem>>
    %dma_wait3A_343 = arith.constant 0 : i32
    %dma_wait3A_344 = tpu.memref_slice %arg12[%dma_wait3A_338, %dma_wait3A_343] : memref<4x128xi32, #tpu.memory_space<vmem>> -> memref<1x128xi32, #tpu.memory_space<vmem>>
    %dma_wait3A_345 = tpu.memref_squeeze %dma_wait3A_344 : memref<1x128xi32, #tpu.memory_space<vmem>> -> memref<128xi32, #tpu.memory_space<vmem>>
    %dma_wait3A_346 = arith.constant 0 : i32
    %dma_wait3A_347 = tpu.memref_slice %arg7[%dma_wait3A_346] : memref<100000xf32, #tpu.memory_space<hbm>> -> memref<100000xf32, #tpu.memory_space<hbm>>
    tpu.wait_indirect_dma semaphore(%arg23 : memref<!tpu.dma_semaphore, #tpu.memory_space<semaphore_mem>>) src(%dma_wait3A_347 : memref<100000xf32, #tpu.memory_space<hbm>>) dst(%dma_wait3A_342 : memref<128xf32, #tpu.memory_space<vmem>>)
    %dma_wait3A_348 = arith.constant 1 : i32
    %dma_wait3A_349 = arith.constant 1 : i32
    %dma_wait3A_350 = arith.constant 0 : i32
    %dma_wait3A_351 = tpu.memref_slice %arg16[%dma_wait3A_349, %dma_wait3A_350] : memref<4x128xf32, #tpu.memory_space<vmem>> -> memref<1x128xf32, #tpu.memory_space<vmem>>
    %dma_wait3A_352 = tpu.memref_squeeze %dma_wait3A_351 : memref<1x128xf32, #tpu.memory_space<vmem>> -> memref<128xf32, #tpu.memory_space<vmem>>
    %dma_wait3A_353 = arith.constant 0 : i32
    %dma_wait3A_354 = tpu.memref_slice %arg12[%dma_wait3A_348, %dma_wait3A_353] : memref<4x128xi32, #tpu.memory_space<vmem>> -> memref<1x128xi32, #tpu.memory_space<vmem>>
    %dma_wait3A_355 = tpu.memref_squeeze %dma_wait3A_354 : memref<1x128xi32, #tpu.memory_space<vmem>> -> memref<128xi32, #tpu.memory_space<vmem>>
    %dma_wait3A_356 = arith.constant 0 : i32
    %dma_wait3A_357 = tpu.memref_slice %arg7[%dma_wait3A_356] : memref<100000xf32, #tpu.memory_space<hbm>> -> memref<100000xf32, #tpu.memory_space<hbm>>
    tpu.wait_indirect_dma semaphore(%arg23 : memref<!tpu.dma_semaphore, #tpu.memory_space<semaphore_mem>>) src(%dma_wait3A_357 : memref<100000xf32, #tpu.memory_space<hbm>>) dst(%dma_wait3A_352 : memref<128xf32, #tpu.memory_space<vmem>>)
    %dma_wait3A_358 = arith.constant 2 : i32
    %dma_wait3A_359 = arith.constant 2 : i32
    %dma_wait3A_360 = arith.constant 0 : i32
    %dma_wait3A_361 = tpu.memref_slice %arg16[%dma_wait3A_359, %dma_wait3A_360] : memref<4x128xf32, #tpu.memory_space<vmem>> -> memref<1x128xf32, #tpu.memory_space<vmem>>
    %dma_wait3A_362 = tpu.memref_squeeze %dma_wait3A_361 : memref<1x128xf32, #tpu.memory_space<vmem>> -> memref<128xf32, #tpu.memory_space<vmem>>
    %dma_wait3A_363 = arith.constant 0 : i32
    %dma_wait3A_364 = tpu.memref_slice %arg12[%dma_wait3A_358, %dma_wait3A_363] : memref<4x128xi32, #tpu.memory_space<vmem>> -> memref<1x128xi32, #tpu.memory_space<vmem>>
    %dma_wait3A_365 = tpu.memref_squeeze %dma_wait3A_364 : memref<1x128xi32, #tpu.memory_space<vmem>> -> memref<128xi32, #tpu.memory_space<vmem>>
    %dma_wait3A_366 = arith.constant 0 : i32
    %dma_wait3A_367 = tpu.memref_slice %arg7[%dma_wait3A_366] : memref<100000xf32, #tpu.memory_space<hbm>> -> memref<100000xf32, #tpu.memory_space<hbm>>
    tpu.wait_indirect_dma semaphore(%arg23 : memref<!tpu.dma_semaphore, #tpu.memory_space<semaphore_mem>>) src(%dma_wait3A_367 : memref<100000xf32, #tpu.memory_space<hbm>>) dst(%dma_wait3A_362 : memref<128xf32, #tpu.memory_space<vmem>>)
    %dma_wait3A_368 = arith.constant 3 : i32
    %dma_wait3A_369 = arith.constant 3 : i32
    %dma_wait3A_370 = arith.constant 0 : i32
    %dma_wait3A_371 = tpu.memref_slice %arg16[%dma_wait3A_369, %dma_wait3A_370] : memref<4x128xf32, #tpu.memory_space<vmem>> -> memref<1x128xf32, #tpu.memory_space<vmem>>
    %dma_wait3A_372 = tpu.memref_squeeze %dma_wait3A_371 : memref<1x128xf32, #tpu.memory_space<vmem>> -> memref<128xf32, #tpu.memory_space<vmem>>
    %dma_wait3A_373 = arith.constant 0 : i32
    %dma_wait3A_374 = tpu.memref_slice %arg12[%dma_wait3A_368, %dma_wait3A_373] : memref<4x128xi32, #tpu.memory_space<vmem>> -> memref<1x128xi32, #tpu.memory_space<vmem>>
    %dma_wait3A_375 = tpu.memref_squeeze %dma_wait3A_374 : memref<1x128xi32, #tpu.memory_space<vmem>> -> memref<128xi32, #tpu.memory_space<vmem>>
    %dma_wait3A_376 = arith.constant 0 : i32
    %dma_wait3A_377 = tpu.memref_slice %arg7[%dma_wait3A_376] : memref<100000xf32, #tpu.memory_space<hbm>> -> memref<100000xf32, #tpu.memory_space<hbm>>
    tpu.wait_indirect_dma semaphore(%arg23 : memref<!tpu.dma_semaphore, #tpu.memory_space<semaphore_mem>>) src(%dma_wait3A_377 : memref<100000xf32, #tpu.memory_space<hbm>>) dst(%dma_wait3A_372 : memref<128xf32, #tpu.memory_space<vmem>>)
    "tpu.region"() ({
      %run_scoped3A = tpu.sem_alloc : memref<!tpu.dma_semaphore, #tpu.memory_space<semaphore_mem>>
      %dma_start3A_378 = arith.constant 0 : i32
      %dma_start3A_379 = arith.constant 0 : i32
      %dma_start3A_380 = tpu.memref_slice %arg9[%add3A, %dma_start3A_378, %dma_start3A_379] : memref<32x4x128xf32, #tpu.memory_space<hbm>> -> memref<1x4x128xf32, #tpu.memory_space<hbm>>
      %dma_start3A_381 = tpu.memref_squeeze %dma_start3A_380 : memref<1x4x128xf32, #tpu.memory_space<hbm>> -> memref<4x128xf32, #tpu.memory_space<hbm>>
      %dma_start3A_382 = arith.constant 0 : i32
      %dma_start3A_383 = arith.constant 0 : i32
      %dma_start3A_384 = tpu.memref_slice %arg9[%add3A, %dma_start3A_382, %dma_start3A_383] : memref<32x4x128xf32, #tpu.memory_space<hbm>> -> memref<1x4x128xf32, #tpu.memory_space<hbm>>
      %dma_start3A_385 = tpu.memref_squeeze %dma_start3A_384 : memref<1x4x128xf32, #tpu.memory_space<hbm>> -> memref<4x128xf32, #tpu.memory_space<hbm>>
      tpu.enqueue_dma source(%arg15 : memref<4x128xf32, #tpu.memory_space<vmem>>) target(%dma_start3A_385 : memref<4x128xf32, #tpu.memory_space<hbm>>) target_semaphore(%run_scoped3A : memref<!tpu.dma_semaphore, #tpu.memory_space<semaphore_mem>>)
      %dma_wait3A_386 = arith.constant 0 : i32
      %dma_wait3A_387 = arith.constant 0 : i32
      %dma_wait3A_388 = tpu.memref_slice %arg9[%add3A, %dma_wait3A_386, %dma_wait3A_387] : memref<32x4x128xf32, #tpu.memory_space<hbm>> -> memref<1x4x128xf32, #tpu.memory_space<hbm>>
      %dma_wait3A_389 = tpu.memref_squeeze %dma_wait3A_388 : memref<1x4x128xf32, #tpu.memory_space<hbm>> -> memref<4x128xf32, #tpu.memory_space<hbm>>
      %dma_wait3A_390 = arith.constant 0 : i32
      %dma_wait3A_391 = arith.constant 0 : i32
      %dma_wait3A_392 = tpu.memref_slice %arg9[%add3A, %dma_wait3A_390, %dma_wait3A_391] : memref<32x4x128xf32, #tpu.memory_space<hbm>> -> memref<1x4x128xf32, #tpu.memory_space<hbm>>
      %dma_wait3A_393 = tpu.memref_squeeze %dma_wait3A_392 : memref<1x4x128xf32, #tpu.memory_space<hbm>> -> memref<4x128xf32, #tpu.memory_space<hbm>>
      tpu.wait_dma2 semaphore(%run_scoped3A : memref<!tpu.dma_semaphore, #tpu.memory_space<semaphore_mem>>) src(%arg15 : memref<4x128xf32, #tpu.memory_space<vmem>>) dst(%dma_wait3A_393 : memref<4x128xf32, #tpu.memory_space<hbm>>)
      tpu.yield
    }) : () -> ()
    "tpu.region"() ({
      %run_scoped3A = tpu.sem_alloc : memref<!tpu.dma_semaphore, #tpu.memory_space<semaphore_mem>>
      %dma_start3A_378 = arith.constant 0 : i32
      %dma_start3A_379 = arith.constant 0 : i32
      %dma_start3A_380 = tpu.memref_slice %arg10[%add3A, %dma_start3A_378, %dma_start3A_379] : memref<32x4x128xf32, #tpu.memory_space<hbm>> -> memref<1x4x128xf32, #tpu.memory_space<hbm>>
      %dma_start3A_381 = tpu.memref_squeeze %dma_start3A_380 : memref<1x4x128xf32, #tpu.memory_space<hbm>> -> memref<4x128xf32, #tpu.memory_space<hbm>>
      %dma_start3A_382 = arith.constant 0 : i32
      %dma_start3A_383 = arith.constant 0 : i32
      %dma_start3A_384 = tpu.memref_slice %arg10[%add3A, %dma_start3A_382, %dma_start3A_383] : memref<32x4x128xf32, #tpu.memory_space<hbm>> -> memref<1x4x128xf32, #tpu.memory_space<hbm>>
      %dma_start3A_385 = tpu.memref_squeeze %dma_start3A_384 : memref<1x4x128xf32, #tpu.memory_space<hbm>> -> memref<4x128xf32, #tpu.memory_space<hbm>>
      tpu.enqueue_dma source(%arg16 : memref<4x128xf32, #tpu.memory_space<vmem>>) target(%dma_start3A_385 : memref<4x128xf32, #tpu.memory_space<hbm>>) target_semaphore(%run_scoped3A : memref<!tpu.dma_semaphore, #tpu.memory_space<semaphore_mem>>)
      %dma_wait3A_386 = arith.constant 0 : i32
      %dma_wait3A_387 = arith.constant 0 : i32
      %dma_wait3A_388 = tpu.memref_slice %arg10[%add3A, %dma_wait3A_386, %dma_wait3A_387] : memref<32x4x128xf32, #tpu.memory_space<hbm>> -> memref<1x4x128xf32, #tpu.memory_space<hbm>>
      %dma_wait3A_389 = tpu.memref_squeeze %dma_wait3A_388 : memref<1x4x128xf32, #tpu.memory_space<hbm>> -> memref<4x128xf32, #tpu.memory_space<hbm>>
      %dma_wait3A_390 = arith.constant 0 : i32
      %dma_wait3A_391 = arith.constant 0 : i32
      %dma_wait3A_392 = tpu.memref_slice %arg10[%add3A, %dma_wait3A_390, %dma_wait3A_391] : memref<32x4x128xf32, #tpu.memory_space<hbm>> -> memref<1x4x128xf32, #tpu.memory_space<hbm>>
      %dma_wait3A_393 = tpu.memref_squeeze %dma_wait3A_392 : memref<1x4x128xf32, #tpu.memory_space<hbm>> -> memref<4x128xf32, #tpu.memory_space<hbm>>
      tpu.wait_dma2 semaphore(%run_scoped3A : memref<!tpu.dma_semaphore, #tpu.memory_space<semaphore_mem>>) src(%arg16 : memref<4x128xf32, #tpu.memory_space<vmem>>) dst(%dma_wait3A_393 : memref<4x128xf32, #tpu.memory_space<hbm>>)
      tpu.yield
    }) : () -> ()
    return
  }
}

module attributes {stable_mosaic.version = 14 : i64} {
  func.func @_tc_body(%arg0: memref<4x128xf32, #tpu.memory_space<vmem>>, %arg1: memref<128x128xf32, #tpu.memory_space<vmem>>, %arg2: memref<128x128xf32, #tpu.memory_space<vmem>>, %arg3: memref<128x128xf32, #tpu.memory_space<vmem>>) attributes {dimension_semantics = [], scalar_prefetch = 0 : i64, scratch_operands = 0 : i64, tpu.core_type = #tpu.core_type<tc>} {
    %get3A = arith.constant 0 : index
    %get3A_0 = arith.constant 0 : index
    %get3A_1 = vector.load %arg0[%get3A, %get3A_0] : memref<4x128xf32, #tpu.memory_space<vmem>>, vector<4x128xf32>
    %reduce_sum3A = vector.shape_cast %get3A_1 : vector<4x128xf32> to vector<1x4x128xf32>
    %reduce_sum3A_2 = arith.constant dense<0.000000e+00> : vector<1xf32>
    %reduce_sum3A_3 = vector.multi_reduction <add>, %reduce_sum3A, %reduce_sum3A_2 [1, 2] : vector<1x4x128xf32> to vector<1xf32>
    %reduce_sum3A_4 = vector.shape_cast %reduce_sum3A_3 : vector<1xf32> to vector<1x1x1xf32>
    %reduce_sum3A_5 = vector.extract %reduce_sum3A_4[0, 0, 0] : f32 from vector<1x1x1xf32>
    %get3A_6 = arith.constant 0 : index
    %get3A_7 = arith.constant 0 : index
    %get3A_8 = vector.load %arg1[%get3A_6, %get3A_7] : memref<128x128xf32, #tpu.memory_space<vmem>>, vector<128x128xf32>
    %add3A = vector.broadcast %reduce_sum3A_5 : f32 to vector<128x128xf32>
    %add3A_9 = arith.addf %add3A, %get3A_8 : vector<128x128xf32>
    %get3A_10 = arith.constant 0 : index
    %get3A_11 = arith.constant 0 : index
    %get3A_12 = vector.load %arg2[%get3A_10, %get3A_11] : memref<128x128xf32, #tpu.memory_space<vmem>>, vector<128x128xf32>
    %add3A_13 = arith.addf %add3A_9, %get3A_12 : vector<128x128xf32>
    %neg3A = arith.constant 0.000000e+00 : f32
    %neg3A_14 = vector.broadcast %neg3A : f32 to vector<128x128xf32>
    %neg3A_15 = arith.subf %neg3A_14, %add3A_13 : vector<128x128xf32>
    %exp3A = math.exp %neg3A_15 : vector<128x128xf32>
    %add3A_16 = arith.constant 1.000000e+00 : f32
    %add3A_17 = vector.broadcast %add3A_16 : f32 to vector<128x128xf32>
    %add3A_18 = arith.addf %add3A_17, %exp3A : vector<128x128xf32>
    %div3A = arith.constant 1.000000e+00 : f32
    %div3A_19 = vector.broadcast %div3A : f32 to vector<128x128xf32>
    %div3A_20 = arith.divf %div3A_19, %add3A_18 : vector<128x128xf32>
    %swap3A = arith.constant 0 : index
    %swap3A_21 = arith.constant 0 : index
    %swap3A_22 = vector.load %arg3[%swap3A, %swap3A_21] : memref<128x128xf32, #tpu.memory_space<vmem>>, vector<128x128xf32>
    tpu.vector_store %arg3[%swap3A, %swap3A_21], %div3A_20 {strides = array<i32>} : memref<128x128xf32, #tpu.memory_space<vmem>>, vector<128x128xf32>,
    return
  }
}

</mosaic_0001>

<sc_bundles>
// kernel: kernel.4.cloned.1.call-start
scs
__scs_entry_jumppad:
0x0: {  	(pc) =	sbr.rel $0x88, $3  }
0x1: {  	(tag) =	ssettag $0x0;
	lr =	simm.s32 $0x1  }
0x2: {  	[smem:$0x3F9C] =	sst lr;
	_ =	strace $0xD0000000  }
0x3: {  	_ = 	snop  }
0x4: {  	_ = 	snop  }
0x5: {  	_ = 	snop  }
0x6: {  	_ = 	snop  }
0x7: {  	_ = 	snop  }
__scs_overlays_trampoline_lowered:
0x8: {  	[smem:$0x3FAB] =	sst s0  }
0x9: {  	[smem:$0x3FAC] =	sst s1  }
0xa: {  	[smem:$0x3FAD] =	sst s2  }
0xb: {  	[smem:$0x3FAE] =	sst s3  }
0xc: {  	[smem:$0x3FAF] =	sst s4  }
0xd: {  	[smem:$0x3FB0] =	sst s5  }
0xe: {  	[smem:$0x3FB1] =	sst s6  }
0xf: {  	[smem:$0x3FB2] =	sst s7  }
0x10: {  	[smem:$0x3FB3] =	sst s8  }
0x11: {  	[smem:$0x3FB4] =	sst s9;
	s0 =	simm.s32 @!p0 $0x0  }
0x12: {  	s1 =	sld [smem:$0x3F9A];
	s0 =	simm.s32 @p0 $0x1  }
0x13: {  	[smem:$0x3FB5] =	sst s0;
	s0 =	simm.s32 @!p1 $0x0  }
0x14: {  	s2 =	sld [smem:$0x3F99];
	s0 =	simm.s32 @p1 $0x1  }
0x15: {  	[smem:$0x3FB6] =	sst s0;
	s0 =	simm.s32 @!p2 $0x0  }
0x16: {  	s3 =	sld [smem:$0x3FDB];
	s0 =	simm.s32 @p2 $0x1  }
0x17: {  	s4 =	simm.s32 $0x1BF5;
	[smem:$0x3FB8] =	sst s0  }
0x18: {  	s0 =	sld [smem:$0x3F9B];
	_ =	swait.ge [sflag:s4], $0x0  }
0x19: {  	s7 =	sld [smem:$0x3F9C]  }
0x1a: {  	s8 =	sadd.s32 $0xFFFFE003, lr  }
0x1b: {  	s9 =	sadd.s32 $0xFFFFFEF7, lr;
	s5 =	simm.s32 $0xFFFFFFFF;
	p2 =	slt.u32 s8, $0xFFFFF086  }
0x1c: {  	p1 =	slt.u32 s9, $0xF7A;
	s5 =	simm.s32 @!p2 $0x0  }
0x1d: {  	s5 =	simm.s32 @p1 $0x1;
	p0 =	seq.s32 s7, s2  }
0x1e: {  	s7 =	smul.u32 @!p0 $0xF7A, s2;
	p2 =	seq.s32 @!p0 s5, $0x0  }
0x1f: {  	s9 =	smul.u32 $0xF7A, s1;
	s8 =	simm.s32 @!p0 $0x1BF5;
	p2 =	por !p2, p0  }
0x20: {  	[sflag:s8] =	ssyncset.s32 @!p0 $0xFFFFF086;
	s6 =	sadd.s32 @!p0 s3, s7;
	s7 =	simm.s32 @!p0 $0x108  }
0x21: {  	s3 =	sadd.s32 s3, s9;
	s6 =	sadd.s32 @!p0 $0x88, s6;
	s7 =	simm.s32 @p2 $0x1082  }
0x22: {  	[simem:s7], [sflag:s8] =	dma.local @!p0 [hbm:s6], $0xF7A  }
0x23: {  	s9 =	sor.u32 $0xD0000000, s2;
	s6 =	simm.s32 $0x108;
	_ =	swait.ge @!p0 [sflag:s8], $0x0  }
0x24: {  	s3 =	sadd.s32 $0x88, s3;
	s6 =	simm.s32 @!p1 $0x1082;
	[sflag:s4] =	ssyncset.s32 $0xFFFFF086  }
0x25: {  	[simem:s6], [sflag:s4] =	dma.local [hbm:s3], $0xF7A  }
0x26: {  	[smem:$0x3F9C] =	sst s1;
	(tag) =	ssettag s2;
	_ =	strace s9  }
0x27: {  	s1 =	sld [smem:$0x3FAC]  }
0x28: {  	s2 =	sld [smem:$0x3FAD]  }
0x29: {  	s4 =	sld [smem:$0x3FAF]  }
0x2a: {  	p0 =	seq.s32 s5, $0x0;
	s5 =	sld [smem:$0x3FB0]  }
0x2b: {  	s6 =	sld [smem:$0x3FB1]  }
0x2c: {  	s7 =	sld [smem:$0x3FB2]  }
0x2d: {  	s3 =	simm.s32 $0x108;
	s8 =	sld [smem:$0x3FB3]  }
0x2e: {  	s3 =	simm.s32 @!p0 $0x1082;
	s9 =	sld [smem:$0x3FB4]  }
0x2f: {  	lr =	sadd.s32 s0, s3;
	s0 =	sld [smem:$0x3FAB]  }
0x30: {  	s3 =	sld [smem:$0x3FAE]  }
0x31: {  	[smem:$0x3FB7] =	sst s10  }
0x32: {  	s10 =	sld [smem:$0x3FB5];
	_ =	sdelay $0x3  }
0x33: {  	p0 =	seq.s32 s10, $0x1;
	s10 =	sld [smem:$0x3FB7];
	_ =	sdelay $0x3  }
0x34: {  	[smem:$0x3FB7] =	sst s10  }
0x35: {  	s10 =	sld [smem:$0x3FB6];
	_ =	sdelay $0x3  }
0x36: {  	p1 =	seq.s32 s10, $0x1;
	s10 =	sld [smem:$0x3FB7];
	_ =	sdelay $0x3  }
0x37: {  	[smem:$0x3FB7] =	sst s10  }
0x38: {  	s10 =	sld [smem:$0x3FB8]  }
0x39: {  	_ = 	snop;
	(pc) =	sbr.ind lr, $3  }
0x3a: {  	_ = 	snop  }
0x3b: {  	_ = 	snop  }
0x3c: {  	p2 =	seq.s32 s10, $0x1;
	s10 =	sld [smem:$0x3FB7]  }
0x3d: {  	_ =	shalt  }
0x3e: {  	_ =	shalt  }
0x3f: {  	_ =	shalt  }
0x40: {  	_ =	shalt  }
0x41: {  	_ =	shalt  }
0x42: {  	_ =	shalt  }
0x43: {  	_ =	shalt  }
0x44: {  	_ =	shalt  }
0x45: {  	_ =	shalt  }
0x46: {  	_ =	shalt  }
0x47: {  	_ =	shalt  }
0x48: {  	_ =	shalt  }
0x49: {  	_ =	shalt  }
0x4a: {  	_ =	shalt  }
0x4b: {  	_ =	shalt  }
0x4c: {  	_ =	shalt  }
0x4d: {  	_ =	shalt  }
0x4e: {  	_ =	shalt  }
0x4f: {  	_ =	shalt  }
0x50: {  	_ =	shalt  }
0x51: {  	_ =	shalt  }
0x52: {  	_ =	shalt  }
0x53: {  	_ =	shalt  }
0x54: {  	_ =	shalt  }
0x55: {  	_ =	shalt  }
0x56: {  	_ =	shalt  }
0x57: {  	_ =	shalt  }
0x58: {  	_ =	shalt  }
0x59: {  	_ =	shalt  }
0x5a: {  	_ =	shalt  }
0x5b: {  	_ =	shalt  }
0x5c: {  	_ =	shalt  }
0x5d: {  	_ =	shalt  }
0x5e: {  	_ =	shalt  }
0x5f: {  	_ =	shalt  }
0x60: {  	_ =	shalt  }
0x61: {  	_ =	shalt  }
0x62: {  	_ =	shalt  }
0x63: {  	_ =	shalt  }
0x64: {  	_ =	shalt  }
0x65: {  	_ =	shalt  }
0x66: {  	_ =	shalt  }
0x67: {  	_ =	shalt  }
0x68: {  	_ =	shalt  }
0x69: {  	_ =	shalt  }
0x6a: {  	_ =	shalt  }
0x6b: {  	_ =	shalt  }
0x6c: {  	_ =	shalt  }
0x6d: {  	_ =	shalt  }
0x6e: {  	_ =	shalt  }
0x6f: {  	_ =	shalt  }
0x70: {  	_ =	shalt  }
0x71: {  	_ =	shalt  }
0x72: {  	_ =	shalt  }
0x73: {  	_ =	shalt  }
0x74: {  	_ =	shalt  }
0x75: {  	_ =	shalt  }
0x76: {  	_ =	shalt  }
0x77: {  	_ =	shalt  }
0x78: {  	_ =	shalt  }
0x79: {  	_ =	shalt  }
0x7a: {  	_ =	shalt  }
0x7b: {  	_ =	shalt  }
0x7c: {  	_ =	shalt  }
0x7d: {  	_ =	shalt  }
0x7e: {  	_ =	shalt  }
0x7f: {  	_ =	shalt  }
0x80: {  	_ =	shalt  }
0x81: {  	_ =	shalt  }
0x82: {  	_ =	shalt  }
0x83: {  	_ =	shalt  }
0x84: {  	_ =	shalt  }
0x85: {  	_ =	shalt  }
0x86: {  	_ =	shalt  }
0x87: {  	_ =	shalt  }
.Lfunc_end0:
.L_simem_size_0:
called_computation_lowered:
.L_overlay_start_0:
0x88: {  	s2 =	sld [smem:$0x3FD9]  }
0x89: {  	s3 =	sld [smem:$0x3FFE];
	_ =	sdelay $0x1  }
0x8a: {  	s1 =	srdreg.scid  }
0x8b: {  	s0 =	sand.u32 $0x1, s1  }
0x8c: {  	s17 =	sshll.u32 s0, $0xA;
	s2 =	sadd.s32 s3, s2  }
0x8d: {  	s2 =	sadd.s32 s2, s17  }
0x8e: {  	[smem:$0x3FC3] =	sst s2  }
0x8f: {  	_ = 	snop  }
0x90: {  	s2 =	sld [smem:$0x3FC8]  }
0x91: {  	s18 =	sld [smem:$0x3FC6]  }
0x92: {  	s4 =	sld [smem:$0x3FD0];
	(tm) =	ssettm $0x1  }
0x93: {  	s5 =	sld [smem:$0x3FFB];
	_ =	sdelay $0x3  }
0x94: {  	_ =	strace s5  }
0x95: {  	s5 =	sld [smem:$0x3FFC];
	_ =	sdelay $0x3  }
0x96: {  	_ =	strace s5  }
0x97: {  	s5 =	sld [smem:$0x3FFD];
	_ =	sdelay $0x3  }
0x98: {  	_ =	strace s5  }
0x99: {  	_ =	strace $0x8FFFFFFF  }
0x9a: {  	s19 =	sld [smem:$0x3FDB];
	_ =	sdelay $0x1  }
0x9b: {  	s6 =	simm.s32 $_scs_section_size  }
0x9c: {  	s7 =	simm.s32 $_size__tile_overlayer_lowered;
	s8 =	simm.s32 $_tile_overlayer_lowered  }
0x9d: {  	s22 =	simm.s32 $0x1BFF;
	s21 =	sshll.u32 s8, $0x1;
	s5 =	sadd.s32 s6, s19  }
0x9e: {  	s9 =	simm.s32 $0x0;
	s20 =	sshll.u32 s7, $0x1;
	s7 =	sadd.s32 s21, s5  }
0x9f: {  	[timem:s9], [sflag:s22] =	dma.local [hbm:s7], s20  }
0xa0: {  	_ =	swait.ge [sflag:s22], s20  }
0xa1: {  	s6 =	ssub.s32 $0x0, s20;
	[sflag:s22] =	ssyncset.done $0x0  }
0xa2: {  	[sflag:s22] =	ssyncadd.s32 s6;
	_ =	sdelay $0x1  }
0xa3: {  	s23 =	simm.s32 $0x1B8B  }
0xa4: {  	_ =	swait.ge [sflag:s23], $0x1  }
0xa5: {  	[sflag:s23] =	ssyncset.done $0x0  }
0xa6: {  	s25 =	simm.s32 $0x1B8E;
	s24 =	sld [smem:$0x3FFE];
	[sflag:s23] =	ssyncadd.s32 $0xFFFFFFFF  }
0xa7: {  	s26 =	simm.s32 $execute0_lowered;
	[smem:$0x3FD2] =	sst s25  }
0xa8: {  	s7 =	sshll.u32 s26, $0x1;
	_ =	strace $0x80000046;
	[dreg:$0x1] =	wrdreg $0xFFFFFFFF  }
0xa9: {  	s28 =	simm.s32 $_size_execute0_lowered;
	s5 =	sadd.s32 s5, s7;
	[dreg:$0x0] =	wrdreg $0x0  }
0xaa: {  	s7 =	sshll.u32 s28, $0x1;
	[dreg:$0x2] =	wrdreg s5  }
0xab: {  	[dreg:$0x3] =	wrdreg s7  }
0xac: {  	[dreg:$0x4] =	wrdreg $0xC0  }
0xad: {  	_ =	task [dreg:s9], $0x5FFFF  }
0xae: {  	[dreg:$0x1] =	wrdreg $0xFFFFFFFF  }
0xaf: {  	[dreg:$0x0] =	wrdreg $0x60  }
0xb0: {  	[dreg:$0x2] =	wrdreg s24  }
0xb1: {  	[dreg:$0x3] =	wrdreg s4  }
0xb2: {  	[dreg:$0x4] =	wrdreg s2  }
0xb3: {  	[dreg:$0x5] =	wrdreg s18  }
0xb4: {  	[dreg:$0x6] =	wrdreg $0x9  }
0xb5: {  	_ =	task.clear_ibuf [dreg:s9], $0x7FFFF;
	_ =	strace $0x90000046  }
0xb6: {  	s29 =	simm.s32 $0x9;
	_ =	strace $0x80000048  }
0xb7: {  	_ =	swait.ge [sflag:s29], $0x1  }
0xb8: {  	[sflag:s29] =	ssyncadd.s32 $0xFFFFFFFF  }
0xb9: {  	_ =	strace $0x90000048  }
0xba: {  	_ =	sfence  }
0xbb: {  	s30 =	sld [smem:$0x0];
	_ =	sdelay $0x2  }
0xbc: {  	s31 =	sshll.u32 s1, $0xD;
	s1 =	sshrl.u32 s1, $0x2  }
0xbd: {  	s3 =	sand.u32 $0x4000, s31;
	s1 =	sadd.s32 s1, s30  }
0xbe: {  	s0 =	sor.u32 s3, s0;
	s1 =	sshll.u32 s1, $0x11  }
0xbf: {  	s0 =	sor.u32 s1, s0  }
0xc0: {  	s0 =	sadd.s32 $0x8F2B, s0  }
0xc1: {  	[sflag:s0] =	ssyncadd.remote.s32 $0x1  }
0xc2: {  	_ =	sfence.sel $0xFFFF  }
0xc3: {  	[dreg:$0x0] =	wrdreg $0xFFFFFFFF;
	(pc) =	sbr.abs _section_cstart, $3  }
0xc4: {  	[dreg:$0x1] =	wrdreg $0xFFFFFFFF  }
0xc5: {  	_ =	task.clear_ibuf [dreg:s9], $0x2FFFF;
	_ =	strace $0x9FFFFFFF  }
0xc6: {  	(tm) =	ssettm $0x7FFFFFFF  }
0xc7: {  	_ =	shalt  }
tec
execute0_lowered:
.L_overlay_start_1:
0x0: {  	(tag) =	ssettag $0x1  }
0x1: {  	s0 =	rddreg [dreg:$0x0]  }
0x2: {  	s2 =	rddreg [dreg:$0x1]  }
0x3: {  	s1 =	rddreg [dreg:$0x2]  }
0x4: {  	s3 =	rddreg [dreg:$0x3];
	s4 =	simm.s32 $0x0  }
0x5: {  	s5 =	srdreg.scid;
	s6 =	stileid.u32;
	s13 =	simm.s32 $0x7  }
0x6: {  	s14 =	simm.s32 $0x200;
	s15 =	simm.s32 $0x80;
	s18 =	simm.s32 $0x100  }
0x7: {  	s20 =	simm.s32 $0x180;
	s22 =	simm.s32 $0x10600;
	s23 =	simm.s32 $0x280  }
0x8: {  	s25 =	simm.s32 $0x300;
	s28 =	simm.s32 $0x380;
	s30 =	simm.s32 $0x400  }
0x9: {  	s31 =	simm.s32 $0x8400;
	s17 =	simm.s32 $0x1;
	s19 =	simm.s32 $0x3  }
0xa: {  	s21 =	simm.s32 $0x2;
	s24 =	simm.s32 $0x4;
	s29 =	simm.s32 $0x5  }
0xb: {  	s16 =	simm.s32 $0x0;
	[smem:$0x7FF] =	sst s4;
	s7 =	sand.u32 $0x1, s5  }
0xc: {  	s6 =	sshll.u32 s6, $0x1;
	s5 =	sadd.s32 $0xC00, s0;
	_ =	strace $0x80000047  }
0xd: {  	s8 =	sor.u32 s7, s6;
	s6 =	sadd.s32 $0x3E00, s0;
	s7 =	ssub.s32 $0x2, s7  }
0xe: {  	s9 =	sshll.u32 s8, $0x6;
	s8 =	sshll.u32 s8, $0x4;
	s10 =	sshrl.u32 s7, $0x1  }
0xf: {  	s11 =	sadd.s32 s9, s0;
	s0 =	sadd.s32 s8, s0;
	s7 =	ssub.s32 s7, s10  }
0x10: {  	s2 =	sadd.s32 s2, s9;
	s8 =	simm.s32 $0x10400;
	s26 =	sadd.s32 $0x400, s11  }
0x11: {  	[dreg:$0x6] =	wrdreg s2;
	s9 =	sadd.s32 $0x7000, s0;
	s10 =	sadd.s32 $0x7200, s11  }
0x12: {  	s11 =	sadd.s32 $0x7A00, s11;
	s12 =	smax.u32 s7, $0x1;
	s0 =	simm.s32 $0x4400  }
0x13: {  	s2 =	simm.s32 $0xC400;
	[dreg:$0x5] =	wrdreg s26;
	s26 =	simm.s32 $0x6  }
.LBB2_1:
0x14: {  	s7 =	rddreg [dreg:$0x5]  }
0x15: {  	[tilespmem:s4], [sflag:$0x7] =	stream.linear.gather [hbm4b:s7+s4], $0x200, $0x38;
	[tilespmem:$0x10880] =	vst v63  }
0x16: {  	_ =	swait.ge [sflag:s13], $0x200  }
0x17: {  	[sflag:s13] =	ssyncset.done $0x0  }
0x18: {  	s7 =	rddreg [dreg:$0x6];
	[sflag:s13] =	ssyncadd.s32 $0xFFFFFE00  }
0x19: {  	[tilespmem:s14], [sflag:$0x7] =	stream.linear.gather [hbm4b:s7+s4], $0x200, $0x38;
	[tilespmem:$0x10880] =	vst v63  }
0x1a: {  	_ =	swait.ge [sflag:s13], $0x200  }
0x1b: {  	[sflag:s13] =	ssyncset.done $0x0  }
0x1c: {  	[sflag:s13] =	ssyncadd.s32 $0xFFFFFE00  }
0x1d: {  	[tilespmem:s8], [sflag:$0x5] =	stream.indirect.gather [hbm4b:s5+s15], $0x1, s4, s15, $0xb8;
	[tilespmem:$0x10880] =	vst v63  }
0x1e: {  	s8 =	simm.s32 $0x10480  }
0x1f: {  	[tilespmem:s8], [sflag:$0x5] =	stream.indirect.gather [hbm4b:s5+s15], $0x1, s15, s15, $0xb8;
	[tilespmem:$0x10880] =	vst v63  }
0x20: {  	s8 =	simm.s32 $0x10500  }
0x21: {  	[tilespmem:s8], [sflag:$0x5] =	stream.indirect.gather [hbm4b:s5+s15], $0x1, s18, s15, $0xb8;
	[tilespmem:$0x10880] =	vst v63  }
0x22: {  	s8 =	simm.s32 $0x10580  }
0x23: {  	[tilespmem:s8], [sflag:$0x5] =	stream.indirect.gather [hbm4b:s5+s15], $0x1, s20, s15, $0xb8;
	[tilespmem:$0x10880] =	vst v63  }
0x24: {  	_ = 	snop  }
0x25: {  	[tilespmem:s22], [sflag:$0x6] =	stream.indirect.gather [hbm4b:s6+s15], $0x1, s14, s15, $0xb8;
	[tilespmem:$0x10880] =	vst v63  }
0x26: {  	s8 =	simm.s32 $0x10680  }
0x27: {  	[tilespmem:s8], [sflag:$0x6] =	stream.indirect.gather [hbm4b:s6+s15], $0x1, s23, s15, $0xb8;
	[tilespmem:$0x10880] =	vst v63  }
0x28: {  	s8 =	simm.s32 $0x10700  }
0x29: {  	[tilespmem:s8], [sflag:$0x6] =	stream.indirect.gather [hbm4b:s6+s15], $0x1, s25, s15, $0xb8;
	[tilespmem:$0x10880] =	vst v63  }
0x2a: {  	s8 =	simm.s32 $0x10780  }
0x2b: {  	[tilespmem:s8], [sflag:$0x6] =	stream.indirect.gather [hbm4b:s6+s15], $0x1, s28, s15, $0xb8;
	[tilespmem:$0x10880] =	vst v63  }
0x2c: {  	_ = 	snop  }
0x2d: {  	[tilespmem:s30], [sflag:$0x1] =	stream.indirect.gather [hbm4b:s1+s15], $0x80, s4, s15, $0xb8;
	[tilespmem:$0x10880] =	vst v63  }
0x2e: {  	_ = 	snop  }
0x2f: {  	[tilespmem:s31], [sflag:$0x3] =	stream.indirect.gather [hbm4b:s3+s15], $0x80, s14, s15, $0xb8;
	[tilespmem:$0x10880] =	vst v63  }
0x30: {  	_ = 	snop  }
0x31: {  	[tilespmem:s0], [sflag:$0x2] =	stream.indirect.gather [hbm4b:s1+s15], $0x80, s15, s15, $0xb8;
	[tilespmem:$0x10880] =	vst v63  }
0x32: {  	_ = 	snop  }
0x33: {  	[tilespmem:s2], [sflag:$0x4] =	stream.indirect.gather [hbm4b:s3+s15], $0x80, s23, s15, $0xb8;
	[tilespmem:$0x10880] =	vst v63  }
0x34: {  	_ =	swait.ge [sflag:s17], $0x4000  }
0x35: {  	[sflag:s17] =	ssyncset.done $0x0  }
0x36: {  	[sflag:s17] =	ssyncadd.s32 $0xFFFFC000  }
0x37: {  	_ =	swait.ge [sflag:s19], $0x4000  }
0x38: {  	[sflag:s19] =	ssyncset.done $0x0  }
0x39: {  	s8 =	simm.s32 $0x0;
	[sflag:s19] =	ssyncadd.s32 $0xFFFFC000  }
0x3a: {  	v0 =	vld [tilespmem:s8+$0x400]  }
0x3b: {  	v1 =	vld [tilespmem:s8+$0x8400]  }
0x3c: {  	v2 =	vld [tilespmem:s8+$0x410]  }
0x3d: {  	v3 =	vld [tilespmem:s8+$0x8410]  }
0x3e: {  	v4 =	vld [tilespmem:s8+$0x420]  }
0x3f: {  	v5 =	vld [tilespmem:s8+$0x8420]  }
0x40: {  	v7 =	vld [tilespmem:s8+$0x8430];
	v0 =	vmul.f32 v1, v0  }
0x41: {  	v6 =	vimm.f32 $0.0e+00;
	v1 =	vld [tilespmem:s8+$0x430]  }
0x42: {  	v8 =	vld [tilespmem:s8+$0x8440];
	v2 =	vmul.f32 v3, v2;
	v0 =	vadd.f32 v0, v6  }
0x43: {  	v6 =	vld [tilespmem:s8+$0x440]  }
0x44: {  	v9 =	vld [tilespmem:s8+$0x450];
	v0 =	vadd.f32 v2, v0;
	v2 =	vmul.f32 v5, v4  }
0x45: {  	v10 =	vld [tilespmem:s8+$0x8450]  }
0x46: {  	v3 =	vld [tilespmem:s8+$0x8460];
	v1 =	vmul.f32 v7, v1;
	v2 =	vadd.f32 v2, v0  }
0x47: {  	v0 =	vld [tilespmem:s8+$0x460]  }
0x48: {  	v4 =	vld [tilespmem:s8+$0x8470];
	v6 =	vmul.f32 v8, v6;
	v5 =	vadd.f32 v1, v2  }
0x49: {  	s7 =	simm.s32 $0x80;
	v1 =	vld [tilespmem:s8+$0x470]  }
0x4a: {  	v2 =	vld [tilespmem:s7+$0x400];
	s8 =	simm.s32 $0x400;
	v5 =	vadd.f32 v6, v5;
	v6 =	vmul.f32 v10, v9  }
.LBB2_2:
0x4b: {  	p0 =	sne.s32 s8, $0xFE00;
	v7 =	vld [tilespmem:s7+$0x8400]  }
0x4c: {  	v8 =	vld [tilespmem:s7+$0x410];
	v5 =	vadd.f32 v6, v5;
	v0 =	vmul.f32 v3, v0  }
0x4d: {  	v3 =	vld [tilespmem:s7+$0x8410]  }
0x4e: {  	v6 =	vld [tilespmem:s7+$0x420];
	v0 =	vadd.f32 v0, v5;
	v1 =	vmul.f32 v4, v1  }
0x4f: {  	v4 =	vld [tilespmem:s7+$0x8420]  }
0x50: {  	v2 =	vmul.f32 v7, v2;
	v5 =	vld [tilespmem:s7+$0x430];
	v0 =	vadd.f32 v1, v0  }
0x51: {  	v1 =	vld [tilespmem:s7+$0x8430]  }
0x52: {  	v0 =	vadd.f32 v2, v0;
	v2 =	vmul.f32 v3, v8;
	v7 =	vld [tilespmem:s7+$0x440]  }
0x53: {  	v8 =	vld [tilespmem:s7+$0x8440]  }
0x54: {  	v0 =	vadd.f32 v2, v0;
	v2 =	vmul.f32 v4, v6;
	v6 =	vld [tilespmem:s7+$0x450]  }
0x55: {  	v9 =	vld [tilespmem:s7+$0x8450]  }
.Ltmp0:
0x56: {  	v2 =	vadd.f32 v2, v0;
	v1 =	vmul.f32 v1, v5;
	v0 =	vld [tilespmem:s7+$0x460];
	(pc) =	sbr.rel @p0 .LBB2_2-.Ltmp0, $4  }
0x57: {  	v3 =	vld [tilespmem:s7+$0x8460]  }
0x58: {  	v5 =	vadd.f32 v1, v2;
	v7 =	vmul.f32 v8, v7;
	v1 =	vld [tilespmem:s7+$0x470]  }
0x59: {  	v4 =	vld [tilespmem:s7+$0x8470];
	s7 =	sshra.s32 s8, $0x2  }
0x5a: {  	s8 =	sadd.s32 $0x200, s8;
	v2 =	vld [tilespmem:s7+$0x400];
	v5 =	vadd.f32 v7, v5;
	v6 =	vmul.f32 v9, v6  }
0x5b: {  	v7 =	vld [tilespmem:s7+$0x8400]  }
0x5c: {  	v8 =	vld [tilespmem:s7+$0x410]  }
0x5d: {  	v9 =	vld [tilespmem:s7+$0x8410]  }
0x5e: {  	v10 =	vld [tilespmem:s7+$0x420]  }
0x5f: {  	v11 =	vld [tilespmem:s7+$0x8420]  }
0x60: {  	v12 =	vld [tilespmem:s7+$0x430]  }
0x61: {  	v13 =	vld [tilespmem:s7+$0x8430]  }
0x62: {  	v14 =	vld [tilespmem:s7+$0x440]  }
0x63: {  	v15 =	vld [tilespmem:s7+$0x8440]  }
0x64: {  	v16 =	vld [tilespmem:s7+$0x450];
	v5 =	vadd.f32 v6, v5;
	v0 =	vmul.f32 v3, v0  }
0x65: {  	v3 =	vld [tilespmem:s7+$0x8450]  }
0x66: {  	v6 =	vld [tilespmem:s7+$0x460];
	v0 =	vadd.f32 v0, v5;
	v1 =	vmul.f32 v4, v1  }
0x67: {  	v4 =	vld [tilespmem:s7+$0x8460]  }
0x68: {  	v5 =	vld [tilespmem:s7+$0x470];
	v2 =	vmul.f32 v7, v2;
	v0 =	vadd.f32 v1, v0  }
0x69: {  	v1 =	vld [tilespmem:s7+$0x8470];
	[tilespmem:s30], [sflag:$0x1] =	stream.indirect.gather [hbm4b:s1+s15], $0x80, s18, s15, $0xb8  }
0x6a: {  	v0 =	vadd.f32 v2, v0;
	v2 =	vmul.f32 v9, v8  }
0x6b: {  	[tilespmem:s31], [sflag:$0x3] =	stream.indirect.gather [hbm4b:s3+s15], $0x80, s25, s15, $0xb8;
	[tilespmem:$0x10880] =	vst v63  }
0x6c: {  	_ =	swait.ge [sflag:s21], $0x4000;
	v0 =	vadd.f32 v2, v0;
	v2 =	vmul.f32 v11, v10  }
0x6d: {  	[sflag:s21] =	ssyncset.done $0x0  }
0x6e: {  	[sflag:s21] =	ssyncadd.s32 $0xFFFFC000;
	v0 =	vadd.f32 v2, v0;
	v2 =	vmul.f32 v13, v12  }
0x6f: {  	_ =	swait.ge [sflag:s24], $0x4000  }
0x70: {  	[sflag:s24] =	ssyncset.done $0x0;
	v0 =	vadd.f32 v2, v0;
	v2 =	vmul.f32 v15, v14  }
0x71: {  	s8 =	simm.s32 $0x0;
	[sflag:s24] =	ssyncadd.s32 $0xFFFFC000  }
0x72: {  	v7 =	vld [tilespmem:s8+$0xC400];
	v0 =	vadd.f32 v2, v0;
	v2 =	vmul.f32 v3, v16  }
0x73: {  	v3 =	vld [tilespmem:s8+$0x4400]  }
0x74: {  	v0 =	vadd.f32 v2, v0;
	v2 =	vmul.f32 v4, v6;
	v4 =	vld [tilespmem:s8+$0x4410]  }
0x75: {  	v6 =	vld [tilespmem:s8+$0xC410]  }
0x76: {  	v1 =	vmul.f32 v1, v5;
	v5 =	vld [tilespmem:s8+$0xC420];
	v0 =	vadd.f32 v2, v0  }
0x77: {  	v2 =	vld [tilespmem:s8+$0x4420]  }
0x78: {  	v0 =	vadd.f32 v1, v0;
	v1 =	vmul.f32 v7, v3;
	v3 =	vld [tilespmem:s8+$0x4430]  }
0x79: {  	v7 =	vld [tilespmem:s8+$0xC430]  }
0x7a: {  	v0 =	vadd.f32 v1, v0;
	v1 =	vmul.f32 v6, v4;
	v4 =	vld [tilespmem:s8+$0x4440]  }
0x7b: {  	v6 =	vld [tilespmem:s8+$0xC440]  }
0x7c: {  	v8 =	vld [tilespmem:s8+$0x4450];
	v0 =	vadd.f32 v1, v0;
	v1 =	vmul.f32 v5, v2  }
0x7d: {  	v63 =	vld [tilespmem:s8+$0xC450]  }
0x7e: {  	v2 =	vmul.f32 v7, v3;
	v3 =	vld [tilespmem:s8+$0xC460];
	v1 =	vadd.f32 v1, v0  }
0x7f: {  	v0 =	vld [tilespmem:s8+$0x4460]  }
0x80: {  	v6 =	vmul.f32 v6, v4;
	v4 =	vld [tilespmem:s8+$0xC470];
	v5 =	vadd.f32 v2, v1  }
0x81: {  	s7 =	simm.s32 $0x80;
	v1 =	vld [tilespmem:s8+$0x4470]  }
0x82: {  	v2 =	vld [tilespmem:s7+$0x4400];
	s8 =	simm.s32 $0x400;
	v5 =	vadd.f32 v6, v5;
	v6 =	vmul.f32 v63, v8  }
.LBB2_4:
0x83: {  	p0 =	sne.s32 s8, $0xFE00;
	v7 =	vld [tilespmem:s7+$0xC400]  }
0x84: {  	v8 =	vld [tilespmem:s7+$0x4410];
	v5 =	vadd.f32 v6, v5;
	v0 =	vmul.f32 v3, v0  }
0x85: {  	v3 =	vld [tilespmem:s7+$0xC410]  }
0x86: {  	v6 =	vld [tilespmem:s7+$0x4420];
	v0 =	vadd.f32 v0, v5;
	v1 =	vmul.f32 v4, v1  }
0x87: {  	v4 =	vld [tilespmem:s7+$0xC420]  }
0x88: {  	v2 =	vmul.f32 v7, v2;
	v5 =	vld [tilespmem:s7+$0x4430];
	v0 =	vadd.f32 v1, v0  }
0x89: {  	v1 =	vld [tilespmem:s7+$0xC430]  }
0x8a: {  	v0 =	vadd.f32 v2, v0;
	v2 =	vmul.f32 v3, v8;
	v7 =	vld [tilespmem:s7+$0x4440]  }
0x8b: {  	v8 =	vld [tilespmem:s7+$0xC440]  }
0x8c: {  	v0 =	vadd.f32 v2, v0;
	v2 =	vmul.f32 v4, v6;
	v6 =	vld [tilespmem:s7+$0x4450]  }
0x8d: {  	v9 =	vld [tilespmem:s7+$0xC450]  }
.Ltmp1:
0x8e: {  	v2 =	vadd.f32 v2, v0;
	v1 =	vmul.f32 v1, v5;
	v0 =	vld [tilespmem:s7+$0x4460];
	(pc) =	sbr.rel @p0 .LBB2_4-.Ltmp1, $4  }
0x8f: {  	v3 =	vld [tilespmem:s7+$0xC460]  }
0x90: {  	v5 =	vadd.f32 v1, v2;
	v7 =	vmul.f32 v8, v7;
	v1 =	vld [tilespmem:s7+$0x4470]  }
0x91: {  	v4 =	vld [tilespmem:s7+$0xC470];
	s7 =	sshra.s32 s8, $0x2  }
0x92: {  	s8 =	sadd.s32 $0x200, s8;
	v2 =	vld [tilespmem:s7+$0x4400];
	v5 =	vadd.f32 v7, v5;
	v6 =	vmul.f32 v9, v6  }
0x93: {  	v7 =	vld [tilespmem:s7+$0xC400]  }
0x94: {  	v8 =	vld [tilespmem:s7+$0x4410]  }
0x95: {  	v9 =	vld [tilespmem:s7+$0xC410]  }
0x96: {  	v10 =	vld [tilespmem:s7+$0x4420]  }
0x97: {  	v11 =	vld [tilespmem:s7+$0xC420]  }
0x98: {  	v12 =	vld [tilespmem:s7+$0x4430]  }
0x99: {  	v13 =	vld [tilespmem:s7+$0xC430]  }
0x9a: {  	v14 =	vld [tilespmem:s7+$0x4440]  }
0x9b: {  	v15 =	vld [tilespmem:s7+$0xC440]  }
0x9c: {  	v16 =	vld [tilespmem:s7+$0x4450];
	v5 =	vadd.f32 v6, v5;
	v0 =	vmul.f32 v3, v0  }
0x9d: {  	v3 =	vld [tilespmem:s7+$0xC450]  }
0x9e: {  	v6 =	vld [tilespmem:s7+$0x4460];
	v0 =	vadd.f32 v0, v5;
	v1 =	vmul.f32 v4, v1  }
0x9f: {  	v4 =	vld [tilespmem:s7+$0xC460]  }
0xa0: {  	v5 =	vld [tilespmem:s7+$0x4470];
	v2 =	vmul.f32 v7, v2;
	v0 =	vadd.f32 v1, v0  }
0xa1: {  	v1 =	vld [tilespmem:s7+$0xC470];
	[tilespmem:s0], [sflag:$0x2] =	stream.indirect.gather [hbm4b:s1+s15], $0x80, s20, s15, $0xb8  }
0xa2: {  	v0 =	vadd.f32 v2, v0;
	v2 =	vmul.f32 v9, v8  }
0xa3: {  	[tilespmem:s2], [sflag:$0x4] =	stream.indirect.gather [hbm4b:s3+s15], $0x80, s28, s15, $0xb8;
	[tilespmem:$0x10880] =	vst v63  }
0xa4: {  	_ =	swait.ge [sflag:s17], $0x4000;
	v0 =	vadd.f32 v2, v0;
	v2 =	vmul.f32 v11, v10  }
0xa5: {  	[sflag:s17] =	ssyncset.done $0x0  }
0xa6: {  	[sflag:s17] =	ssyncadd.s32 $0xFFFFC000;
	v0 =	vadd.f32 v2, v0;
	v2 =	vmul.f32 v13, v12  }
0xa7: {  	_ =	swait.ge [sflag:s19], $0x4000  }
0xa8: {  	[sflag:s19] =	ssyncset.done $0x0;
	v0 =	vadd.f32 v2, v0;
	v2 =	vmul.f32 v15, v14  }
0xa9: {  	s8 =	simm.s32 $0x0;
	[sflag:s19] =	ssyncadd.s32 $0xFFFFC000  }
0xaa: {  	v7 =	vld [tilespmem:s8+$0x8400];
	v0 =	vadd.f32 v2, v0;
	v2 =	vmul.f32 v3, v16  }
0xab: {  	v3 =	vld [tilespmem:s8+$0x400]  }
0xac: {  	v0 =	vadd.f32 v2, v0;
	v2 =	vmul.f32 v4, v6;
	v4 =	vld [tilespmem:s8+$0x410]  }
0xad: {  	v6 =	vld [tilespmem:s8+$0x8410]  }
0xae: {  	v1 =	vmul.f32 v1, v5;
	v5 =	vld [tilespmem:s8+$0x8420];
	v0 =	vadd.f32 v2, v0  }
0xaf: {  	v2 =	vld [tilespmem:s8+$0x420]  }
0xb0: {  	v0 =	vadd.f32 v1, v0;
	v1 =	vmul.f32 v7, v3;
	v3 =	vld [tilespmem:s8+$0x430]  }
0xb1: {  	v7 =	vld [tilespmem:s8+$0x8430]  }
0xb2: {  	v0 =	vadd.f32 v1, v0;
	v1 =	vmul.f32 v6, v4;
	v4 =	vld [tilespmem:s8+$0x440]  }
0xb3: {  	v6 =	vld [tilespmem:s8+$0x8440]  }
0xb4: {  	v8 =	vld [tilespmem:s8+$0x450];
	v0 =	vadd.f32 v1, v0;
	v1 =	vmul.f32 v5, v2  }
0xb5: {  	v63 =	vld [tilespmem:s8+$0x8450]  }
0xb6: {  	v2 =	vmul.f32 v7, v3;
	v3 =	vld [tilespmem:s8+$0x8460];
	v1 =	vadd.f32 v1, v0  }
0xb7: {  	v0 =	vld [tilespmem:s8+$0x460]  }
0xb8: {  	v6 =	vmul.f32 v6, v4;
	v4 =	vld [tilespmem:s8+$0x8470];
	v5 =	vadd.f32 v2, v1  }
0xb9: {  	s7 =	simm.s32 $0x80;
	v1 =	vld [tilespmem:s8+$0x470]  }
0xba: {  	v2 =	vld [tilespmem:s7+$0x400];
	s8 =	simm.s32 $0x400;
	v5 =	vadd.f32 v6, v5;
	v6 =	vmul.f32 v63, v8  }
.LBB2_6:
0xbb: {  	p0 =	sne.s32 s8, $0xFE00;
	v7 =	vld [tilespmem:s7+$0x8400]  }
0xbc: {  	v8 =	vld [tilespmem:s7+$0x410];
	v5 =	vadd.f32 v6, v5;
	v0 =	vmul.f32 v3, v0  }
0xbd: {  	v3 =	vld [tilespmem:s7+$0x8410]  }
0xbe: {  	v6 =	vld [tilespmem:s7+$0x420];
	v0 =	vadd.f32 v0, v5;
	v1 =	vmul.f32 v4, v1  }
0xbf: {  	v4 =	vld [tilespmem:s7+$0x8420]  }
0xc0: {  	v2 =	vmul.f32 v7, v2;
	v5 =	vld [tilespmem:s7+$0x430];
	v0 =	vadd.f32 v1, v0  }
0xc1: {  	v1 =	vld [tilespmem:s7+$0x8430]  }
0xc2: {  	v0 =	vadd.f32 v2, v0;
	v2 =	vmul.f32 v3, v8;
	v7 =	vld [tilespmem:s7+$0x440]  }
0xc3: {  	v8 =	vld [tilespmem:s7+$0x8440]  }
0xc4: {  	v0 =	vadd.f32 v2, v0;
	v2 =	vmul.f32 v4, v6;
	v6 =	vld [tilespmem:s7+$0x450]  }
0xc5: {  	v9 =	vld [tilespmem:s7+$0x8450]  }
.Ltmp2:
0xc6: {  	v2 =	vadd.f32 v2, v0;
	v1 =	vmul.f32 v1, v5;
	v0 =	vld [tilespmem:s7+$0x460];
	(pc) =	sbr.rel @p0 .LBB2_6-.Ltmp2, $4  }
0xc7: {  	v3 =	vld [tilespmem:s7+$0x8460]  }
0xc8: {  	v5 =	vadd.f32 v1, v2;
	v7 =	vmul.f32 v8, v7;
	v1 =	vld [tilespmem:s7+$0x470]  }
0xc9: {  	v4 =	vld [tilespmem:s7+$0x8470];
	s7 =	sshra.s32 s8, $0x2  }
0xca: {  	s8 =	sadd.s32 $0x200, s8;
	v2 =	vld [tilespmem:s7+$0x400];
	v5 =	vadd.f32 v7, v5;
	v6 =	vmul.f32 v9, v6  }
0xcb: {  	v7 =	vld [tilespmem:s7+$0x8400]  }
0xcc: {  	v8 =	vld [tilespmem:s7+$0x410]  }
0xcd: {  	v9 =	vld [tilespmem:s7+$0x8410]  }
0xce: {  	v10 =	vld [tilespmem:s7+$0x420]  }
0xcf: {  	v11 =	vld [tilespmem:s7+$0x8420]  }
0xd0: {  	v12 =	vld [tilespmem:s7+$0x430]  }
0xd1: {  	v13 =	vld [tilespmem:s7+$0x8430];
	v5 =	vadd.f32 v6, v5;
	v0 =	vmul.f32 v3, v0  }
0xd2: {  	v63 =	vld [tilespmem:s7+$0x8470]  }
0xd3: {  	v3 =	vld [tilespmem:s7+$0x440];
	v0 =	vadd.f32 v0, v5;
	v1 =	vmul.f32 v4, v1  }
0xd4: {  	v6 =	vld [tilespmem:s7+$0x8440]  }
0xd5: {  	v4 =	vld [tilespmem:s7+$0x450];
	v2 =	vmul.f32 v7, v2;
	v0 =	vadd.f32 v1, v0  }
0xd6: {  	v5 =	vld [tilespmem:s7+$0x8450]  }
0xd7: {  	v1 =	vld [tilespmem:s7+$0x460];
	v0 =	vadd.f32 v2, v0;
	v2 =	vmul.f32 v9, v8  }
0xd8: {  	v7 =	vld [tilespmem:s7+$0x8460]  }
0xd9: {  	v8 =	vld [tilespmem:s7+$0x470];
	_ =	swait.ge [sflag:s21], $0x4000;
	v0 =	vadd.f32 v2, v0;
	v2 =	vmul.f32 v11, v10  }
0xda: {  	[sflag:s21] =	ssyncset.done $0x0  }
0xdb: {  	[sflag:s21] =	ssyncadd.s32 $0xFFFFC000;
	v0 =	vadd.f32 v2, v0;
	v2 =	vmul.f32 v13, v12  }
0xdc: {  	_ =	swait.ge [sflag:s24], $0x4000  }
0xdd: {  	[sflag:s24] =	ssyncset.done $0x0;
	v0 =	vadd.f32 v2, v0;
	v2 =	vmul.f32 v6, v3  }
0xde: {  	s8 =	simm.s32 $0x0;
	[sflag:s24] =	ssyncadd.s32 $0xFFFFC000  }
0xdf: {  	v3 =	vld [tilespmem:s8+$0x4400];
	v0 =	vadd.f32 v2, v0;
	v2 =	vmul.f32 v5, v4  }
0xe0: {  	v4 =	vld [tilespmem:s8+$0xC400]  }
0xe1: {  	v1 =	vmul.f32 v7, v1;
	v5 =	vld [tilespmem:s8+$0xC410];
	v0 =	vadd.f32 v2, v0  }
0xe2: {  	v2 =	vld [tilespmem:s8+$0x4410]  }
0xe3: {  	v6 =	vld [tilespmem:s8+$0x4420];
	v0 =	vadd.f32 v1, v0;
	v1 =	vmul.f32 v63, v8  }
0xe4: {  	v7 =	vld [tilespmem:s8+$0xC420]  }
0xe5: {  	v0 =	vadd.f32 v1, v0;
	v1 =	vmul.f32 v4, v3;
	v3 =	vld [tilespmem:s8+$0x4430]  }
0xe6: {  	v4 =	vld [tilespmem:s8+$0xC430]  }
0xe7: {  	v0 =	vadd.f32 v1, v0;
	v1 =	vmul.f32 v5, v2;
	v2 =	vld [tilespmem:s8+$0x4440]  }
0xe8: {  	v5 =	vld [tilespmem:s8+$0xC440]  }
0xe9: {  	v0 =	vadd.f32 v1, v0;
	v1 =	vmul.f32 v7, v6;
	v6 =	vld [tilespmem:s8+$0x4450]  }
0xea: {  	v7 =	vld [tilespmem:s8+$0xC450]  }
0xeb: {  	v4 =	vmul.f32 v4, v3;
	v3 =	vld [tilespmem:s8+$0xC460];
	v1 =	vadd.f32 v1, v0  }
0xec: {  	v0 =	vld [tilespmem:s8+$0x4460]  }
0xed: {  	v5 =	vmul.f32 v5, v2;
	v8 =	vadd.f32 v4, v1;
	v1 =	vld [tilespmem:s8+$0x4470]  }
0xee: {  	s7 =	simm.s32 $0x80;
	v4 =	vld [tilespmem:s8+$0xC470]  }
0xef: {  	v2 =	vld [tilespmem:s7+$0x4400];
	s8 =	simm.s32 $0x400;
	v6 =	vmul.f32 v7, v6;
	v5 =	vadd.f32 v5, v8  }
.LBB2_8:
0xf0: {  	p0 =	sne.s32 s8, $0xFE00;
	v7 =	vld [tilespmem:s7+$0xC400]  }
0xf1: {  	v8 =	vld [tilespmem:s7+$0x4410];
	v5 =	vadd.f32 v6, v5;
	v0 =	vmul.f32 v3, v0  }
0xf2: {  	v3 =	vld [tilespmem:s7+$0xC410]  }
0xf3: {  	v6 =	vld [tilespmem:s7+$0x4420];
	v0 =	vadd.f32 v0, v5;
	v1 =	vmul.f32 v4, v1  }
0xf4: {  	v4 =	vld [tilespmem:s7+$0xC420]  }
0xf5: {  	v2 =	vmul.f32 v7, v2;
	v5 =	vld [tilespmem:s7+$0x4430];
	v0 =	vadd.f32 v1, v0  }
0xf6: {  	v1 =	vld [tilespmem:s7+$0xC430]  }
0xf7: {  	v0 =	vadd.f32 v2, v0;
	v2 =	vmul.f32 v3, v8;
	v7 =	vld [tilespmem:s7+$0x4440]  }
0xf8: {  	v8 =	vld [tilespmem:s7+$0xC440]  }
0xf9: {  	v0 =	vadd.f32 v2, v0;
	v2 =	vmul.f32 v4, v6;
	v6 =	vld [tilespmem:s7+$0x4450]  }
0xfa: {  	v9 =	vld [tilespmem:s7+$0xC450]  }
.Ltmp3:
0xfb: {  	v2 =	vadd.f32 v2, v0;
	v1 =	vmul.f32 v1, v5;
	v0 =	vld [tilespmem:s7+$0x4460];
	(pc) =	sbr.rel @p0 .LBB2_8-.Ltmp3, $4  }
0xfc: {  	v3 =	vld [tilespmem:s7+$0xC460]  }
0xfd: {  	v5 =	vadd.f32 v1, v2;
	v7 =	vmul.f32 v8, v7;
	v1 =	vld [tilespmem:s7+$0x4470]  }
0xfe: {  	v4 =	vld [tilespmem:s7+$0xC470];
	s7 =	sshra.s32 s8, $0x2  }
0xff: {  	s8 =	sadd.s32 $0x200, s8;
	v2 =	vld [tilespmem:s7+$0x4400];
	v5 =	vadd.f32 v7, v5;
	v6 =	vmul.f32 v9, v6  }
0x100: {  	v7 =	vld [tilespmem:s7+$0xC400]  }
0x101: {  	v8 =	vld [tilespmem:s7+$0x4410];
	v5 =	vadd.f32 v6, v5;
	v0 =	vmul.f32 v3, v0  }
0x102: {  	v45 =	vld [tilespmem:s7+$0xC410]  }
0x103: {  	v46 =	vld [tilespmem:s7+$0x4420];
	v0 =	vadd.f32 v0, v5;
	v1 =	vmul.f32 v4, v1  }
0x104: {  	v47 =	vld [tilespmem:s7+$0xC420]  }
0x105: {  	v48 =	vld [tilespmem:s7+$0x4430];
	v2 =	vmul.f32 v7, v2;
	v0 =	vadd.f32 v1, v0  }
0x106: {  	v49 =	vld [tilespmem:s7+$0xC430]  }
0x107: {  	v51 =	vld [tilespmem:s7+$0x4440];
	v50 =	vmul.f32 v45, v8;
	v0 =	vadd.f32 v2, v0  }
0x108: {  	v52 =	vld [tilespmem:s7+$0xC440]  }
0x109: {  	v54 =	vld [tilespmem:s7+$0x4450];
	v53 =	vmul.f32 v47, v46;
	v0 =	vadd.f32 v50, v0  }
0x10a: {  	v55 =	vld [tilespmem:s7+$0xC450]  }
0x10b: {  	v56 =	vld [tilespmem:s7+$0x4460];
	v1 =	vmul.f32 v49, v48;
	v0 =	vadd.f32 v53, v0  }
0x10c: {  	v57 =	vld [tilespmem:s7+$0xC460]  }
0x10d: {  	v59 =	vld [tilespmem:s7+$0x4470];
	v58 =	vmul.f32 v52, v51;
	v0 =	vadd.f32 v1, v0  }
0x10e: {  	v60 =	vld [tilespmem:s7+$0xC470]  }
0x10f: {  	v61 =	vmul.f32 v55, v54;
	v0 =	vadd.f32 v58, v0;
	_ =	sdelay $0x1  }
0x110: {  	v62 =	vmul.f32 v57, v56;
	v0 =	vadd.f32 v61, v0;
	_ =	sdelay $0x1  }
0x111: {  	v63 =	vmul.f32 v60, v59;
	v0 =	vadd.f32 v62, v0;
	_ =	sdelay $0x1  }
0x112: {  	v0 =	vadd.f32 v63, v0;
	_ =	sdelay $0x1  }
0x113: {  	s8 =	simm.s32 $0x10800;
	[tilespmem:$0x10800] =	vst v0  }
0x114: {  	[hbm4b:s9+s4] =	stream.linear.scatter [tilespmem:s8], [sflag:$0x7], $0x80, $0x38;
	[tilespmem:$0x10880] =	vst v63  }
0x115: {  	_ =	swait.ge [sflag:s13], $0x80  }
0x116: {  	[sflag:s13] =	ssyncset.done $0x0  }
0x117: {  	[sflag:s13] =	ssyncadd.s32 $0xFFFFFF80  }
0x118: {  	_ =	swait.ge [sflag:s29], $0x80  }
0x119: {  	[sflag:s29] =	ssyncset.done $0x0  }
0x11a: {  	[sflag:s29] =	ssyncadd.s32 $0xFFFFFF80  }
0x11b: {  	_ =	swait.ge [sflag:s29], $0x80  }
0x11c: {  	[sflag:s29] =	ssyncset.done $0x0  }
0x11d: {  	[sflag:s29] =	ssyncadd.s32 $0xFFFFFF80  }
0x11e: {  	_ =	swait.ge [sflag:s29], $0x80  }
0x11f: {  	[sflag:s29] =	ssyncset.done $0x0  }
0x120: {  	[sflag:s29] =	ssyncadd.s32 $0xFFFFFF80  }
0x121: {  	_ =	swait.ge [sflag:s29], $0x80  }
0x122: {  	[sflag:s29] =	ssyncset.done $0x0  }
0x123: {  	[sflag:s29] =	ssyncadd.s32 $0xFFFFFF80  }
0x124: {  	_ =	swait.ge [sflag:s26], $0x80  }
0x125: {  	[sflag:s26] =	ssyncset.done $0x0  }
0x126: {  	[sflag:s26] =	ssyncadd.s32 $0xFFFFFF80  }
0x127: {  	_ =	swait.ge [sflag:s26], $0x80  }
0x128: {  	[sflag:s26] =	ssyncset.done $0x0  }
0x129: {  	[sflag:s26] =	ssyncadd.s32 $0xFFFFFF80  }
0x12a: {  	_ =	swait.ge [sflag:s26], $0x80  }
0x12b: {  	[sflag:s26] =	ssyncset.done $0x0  }
0x12c: {  	[sflag:s26] =	ssyncadd.s32 $0xFFFFFF80  }
0x12d: {  	_ =	swait.ge [sflag:s26], $0x80  }
0x12e: {  	[sflag:s26] =	ssyncset.done $0x0  }
0x12f: {  	s8 =	simm.s32 $0x10400;
	[sflag:s26] =	ssyncadd.s32 $0xFFFFFF80  }
0x130: {  	[hbm4b:s10+s4] =	stream.linear.scatter [tilespmem:s8], [sflag:$0x7], $0x200, $0x38;
	[tilespmem:$0x10880] =	vst v63  }
0x131: {  	s16 =	sadd.s32 $0x1, s16;
	_ =	swait.ge [sflag:s13], $0x200  }
0x132: {  	p0 =	sne.s32 s16, s12;
	[sflag:s13] =	ssyncset.done $0x0  }
.Ltmp4:
0x133: {  	[sflag:s13] =	ssyncadd.s32 $0xFFFFFE00;
	(pc) =	sbr.rel @p0 .LBB2_1-.Ltmp4, $4  }
0x134: {  	[hbm4b:s11+s4] =	stream.linear.scatter [tilespmem:s22], [sflag:$0x7], $0x200, $0x38;
	[tilespmem:$0x10880] =	vst v63  }
0x135: {  	_ =	swait.ge [sflag:s13], $0x200  }
0x136: {  	[sflag:s13] =	ssyncset.done $0x0  }
0x137: {  	[sflag:s13] =	ssyncadd.s32 $0xFFFFFE00  }
0x138: {  	_ =	sfence.sel $0x180000  }
0x139: {  	[bflag:$0x0] =	sbarrier.arrive $0xFFFF  }
0x13a: {  	_ =	strace $0x90000047  }
0x13b: {  	s0 =	stileid.u32;
	[bflag:$0x2] =	sbarrier.arrive $0xFFFF  }
0x13c: {  	p0 =	sne.s32 s0, $0x0;
	s0 =	rddreg [dreg:$0x4]  }
0x13d: {  	s0 =	sadd.s32 @!p0 $0x100000, s0  }
0x13e: {  	[sflag:s0] =	ssyncadd.tile.s32 @!p0 $0x1;
	_ =	shalt  }
.Lfunc_end2:
_tile_overlayer_lowered:
.L_overlay_start_2:
0x13f: {  	(tag) =	ssettag $0x2  }
0x140: {  	s0 =	rddreg [dreg:$0x0];
	s2 =	stileid.u32  }
0x141: {  	s1 =	rddreg [dreg:$0x1];
	p0 =	sne.s32 s2, $0x0  }
0x142: {  	s3 =	rddreg [dreg:$0x2];
	[bflag:$0x3] =	sbarrier.arrive $0xFFFF;
	s2 =	simm.s32 @!p0 $0x1C07  }
0x143: {  	[timem:s3], [sflag:s2] =	dma.local @!p0 [hbm:s0], s1  }
0x144: {  	s0 =	simm.s32 @!p0 $0x7  }
0x145: {  	_ =	swait.ge @!p0 [sflag:s0], s1  }
0x146: {  	s1 =	ssub.s32 @!p0 $0x0, s1;
	[sflag:s0] =	ssyncset.done @!p0 $0x0  }
0x147: {  	[sflag:s0] =	ssyncadd.s32 @!p0 s1  }
0x148: {  	[bflag:$0x3] =	sbarrier.arrive $0xFFFF  }
0x149: {  	_ =	shalt  }

</sc_bundles>
